<compile_context>
chip_gen: v7x
topology: tpu7x:2x2x1
jax: 0.10.2.dev20260603
libtpu: 0.0.44.dev20260713+nightly
codegen_flags: <defaults>
</compile_context>

<pallas_src>
import functools
import math

import jax
import jax.numpy as jnp
from jax import lax
from jax.experimental import pallas as pl
from jax.experimental.pallas import tpu as pltpu
from jax.experimental.pallas import tpu_sc as plsc

B, C, H, W = 4, 192, 64, 64
N = H * W
BN = B * N
K = 2000
KP = 2048
BKP = B * KP
HID = 768
NH = 3
HD = C // NH
DUMP = BN
YROWS = BN + 512
CP = 256


def _ln1_body(x_ref, g_ref, b_ref, y_ref):
    x = x_ref[...]
    g = g_ref[0:1, :]
    b = b_ref[0:1, :]
    m = jnp.mean(x, axis=1, keepdims=True)
    v = jnp.mean((x - m) * (x - m), axis=1, keepdims=True)
    ln = (x - m) * lax.rsqrt(v + 1e-5) * g + b
    y_ref[...] = jnp.concatenate(
        [ln, jnp.zeros((ln.shape[0], CP - C), jnp.float32)], axis=1)


def _ln1(xt, g8, b8):
    grid = YROWS // 512
    return pl.pallas_call(
        _ln1_body,
        grid=(grid,),
        in_specs=[
            pl.BlockSpec((512, C), lambda i: (jnp.minimum(i, BN // 512 - 1), 0)),
            pl.BlockSpec((8, C), lambda i: (0, 0)),
            pl.BlockSpec((8, C), lambda i: (0, 0)),
        ],
        out_specs=pl.BlockSpec((512, CP), lambda i: (i, 0)),
        out_shape=jax.ShapeDtypeStruct((YROWS, CP), jnp.float32),
    )(xt, g8, b8)


def _sc_gather(y, gidx):
    info = plsc.get_sparse_core_info()
    nw = info.num_cores * info.num_subcores
    rpw = BKP // nw
    mesh = plsc.VectorSubcoreMesh(core_axis_name="c", subcore_axis_name="s")

    @functools.partial(
        pl.kernel,
        mesh=mesh,
        out_type=jax.ShapeDtypeStruct((BKP, CP), jnp.float32),
        scratch_types=[
            pltpu.VMEM((2, 128), jnp.int32),
            pltpu.VMEM((rpw, CP), jnp.float32),
            pltpu.SemaphoreType.DMA,
        ],
    )
    def k(y_hbm, idx_hbm, out_hbm, idx_v, rows_v, sem):
        wid = lax.axis_index("s") * info.num_cores + lax.axis_index("c")
        pltpu.sync_copy(idx_hbm.at[wid], idx_v)
        c0 = pltpu.async_copy(y_hbm.at[idx_v.at[0]], rows_v.at[pl.ds(0, 128)], sem)
        c1 = pltpu.async_copy(y_hbm.at[idx_v.at[1]], rows_v.at[pl.ds(128, 128)], sem)
        c0.wait()
        c1.wait()
        pltpu.sync_copy(rows_v, out_hbm.at[pl.ds(wid * rpw, rpw)])

    return k(y, gidx)


def _qkv_body(s_ref, w_ref, o_ref):
    o_ref[...] = jnp.dot(s_ref[:, :C], w_ref[...],
                         preferred_element_type=jnp.float32)


def _qkv(sel, w_qkv):
    return pl.pallas_call(
        _qkv_body,
        grid=(BKP // 512,),
        in_specs=[
            pl.BlockSpec((512, CP), lambda i: (i, 0)),
            pl.BlockSpec((C, 3 * C), lambda i: (0, 0)),
        ],
        out_specs=pl.BlockSpec((512, 3 * C), lambda i: (i, 0)),
        out_shape=jax.ShapeDtypeStruct((BKP, 3 * C), jnp.float32),
    )(sel, w_qkv)


QT = 256


def _attn_body(q_ref, kv_ref, wp_ref, bp_ref, o_ref):
    scale = HD ** -0.5
    colmask = jnp.where(
        lax.broadcasted_iota(jnp.int32, (1, KP), 1) >= K, -1e30, 0.0)
    outs = []
    for h in range(NH):
        q = q_ref[:, h * HD:(h + 1) * HD]
        kk = kv_ref[:, C + h * HD:C + (h + 1) * HD]
        v = kv_ref[:, 2 * C + h * HD:2 * C + (h + 1) * HD]
        s = lax.dot_general(q, kk, (((1,), (1,)), ((), ())),
                            preferred_element_type=jnp.float32)
        s = s * scale + colmask
        s = s - jnp.max(s, axis=1, keepdims=True)
        e = jnp.exp(s)
        p = e / jnp.sum(e, axis=1, keepdims=True)
        outs.append(jnp.dot(p, v, preferred_element_type=jnp.float32))
    o = jnp.concatenate(outs, axis=1)
    proj = (jnp.dot(o, wp_ref[...], preferred_element_type=jnp.float32)
            + bp_ref[0:1, :])
    o_ref[...] = jnp.concatenate(
        [proj, jnp.zeros((proj.shape[0], CP - C), jnp.float32)], axis=1)


def _attn(qkv, w_proj, bp8):
    nt = KP // QT
    return pl.pallas_call(
        _attn_body,
        grid=(B, nt),
        in_specs=[
            pl.BlockSpec((QT, 3 * C), lambda b, t: (b * nt + t, 0)),
            pl.BlockSpec((KP, 3 * C), lambda b, t: (b, 0)),
            pl.BlockSpec((C, C), lambda b, t: (0, 0)),
            pl.BlockSpec((8, C), lambda b, t: (0, 0)),
        ],
        out_specs=pl.BlockSpec((QT, CP), lambda b, t: (b * nt + t, 0)),
        out_shape=jax.ShapeDtypeStruct((BKP, CP), jnp.float32),
    )(qkv, qkv, w_proj, bp8)


def _sc_scatter(y, op, sidx):
    info = plsc.get_sparse_core_info()
    nw = info.num_subcores
    rpw = BKP // nw
    cpw = BN // nw
    mesh = plsc.VectorSubcoreMesh(
        core_axis_name="c", subcore_axis_name="s", num_cores=1)

    @functools.partial(
        pl.kernel,
        mesh=mesh,
        out_type=jax.ShapeDtypeStruct((YROWS, CP), jnp.float32),
        scratch_types=[
            pltpu.VMEM((4, 128), jnp.int32),
            pltpu.VMEM((256, CP), jnp.float32),
            pltpu.SemaphoreType.DMA,
        ],
    )
    def k(y_hbm, o_hbm, idx_hbm, out_hbm, idx_v, rows_v, sem):
        wid = lax.axis_index("s")
        pltpu.sync_copy(y_hbm.at[pl.ds(wid * cpw, cpw)],
                        out_hbm.at[pl.ds(wid * cpw, cpw)])
        plsc.subcore_barrier()
        pltpu.sync_copy(idx_hbm.at[wid], idx_v)
        for half in range(2):
            pltpu.sync_copy(
                o_hbm.at[pl.ds(wid * rpw + half * 256, 256)], rows_v)
            copies = [
                pltpu.async_copy(rows_v.at[pl.ds(j * 128, 128)],
                                 out_hbm.at[idx_v.at[half * 2 + j]], sem)
                for j in range(2)
            ]
            for cp in copies:
                cp.wait()

    return k(y, op, sidx)


def _mlp1_body(x_ref, y2_ref, g_ref, b_ref, w1_ref, b1_ref, zn_ref, h1_ref):
    z = x_ref[...] + y2_ref[:, :C]
    m = jnp.mean(z, axis=1, keepdims=True)
    v = jnp.mean((z - m) * (z - m), axis=1, keepdims=True)
    zn = (z - m) * lax.rsqrt(v + 1e-5) * g_ref[0:1, :] + b_ref[0:1, :]
    zn_ref[...] = zn
    h1_ref[...] = (jnp.dot(zn, w1_ref[...], preferred_element_type=jnp.float32)
                   + b1_ref[0:1, :])


def _mlp1(xt, y2, g8, b8, w_fc1, b18):
    return pl.pallas_call(
        _mlp1_body,
        grid=(BN // 512,),
        in_specs=[
            pl.BlockSpec((512, C), lambda i: (i, 0)),
            pl.BlockSpec((512, CP), lambda i: (i, 0)),
            pl.BlockSpec((8, C), lambda i: (0, 0)),
            pl.BlockSpec((8, C), lambda i: (0, 0)),
            pl.BlockSpec((C, HID), lambda i: (0, 0)),
            pl.BlockSpec((8, HID), lambda i: (0, 0)),
        ],
        out_specs=[
            pl.BlockSpec((512, C), lambda i: (i, 0)),
            pl.BlockSpec((512, HID), lambda i: (i, 0)),
        ],
        out_shape=[
            jax.ShapeDtypeStruct((BN, C), jnp.float32),
            jax.ShapeDtypeStruct((BN, HID), jnp.float32),
        ],
    )(xt, y2, g8, b8, w_fc1, b18)


RT = 1024


def _gelu(x):
    p = 0.3275911
    a1, a2, a3, a4, a5 = (0.254829592, -0.284496736, 1.421413741,
                          -1.453152027, 1.061405429)
    z = x * (2.0 ** -0.5)
    s = jnp.sign(z)
    az = jnp.abs(z)
    t = 1.0 / (1.0 + p * az)
    poly = ((((a5 * t + a4) * t + a3) * t + a2) * t + a1) * t
    erf = s * (1.0 - poly * jnp.exp(-az * az))
    return 0.5 * x * (1.0 + erf)


def _conv_body(cur_ref, prv_ref, nxt_ref, wd_ref, zn_ref, w2_ref, b2_ref,
               o_ref):
    blk = pl.program_id(1)
    zrow = jnp.zeros((8, HID), jnp.float32)
    ext = jnp.concatenate(
        [zrow, prv_ref[...], cur_ref[...], nxt_ref[...], zrow], axis=0)
    wpos = lax.broadcasted_iota(jnp.int32, (RT, 1), 0) % W
    grow = blk * 16 + lax.broadcasted_iota(jnp.int32, (RT, 1), 0) // W
    acc = jnp.zeros((RT, HID), jnp.float32)
    for a in range(3):
        for b in range(3):
            di, dj = a - 1, b - 1
            sl = ext[72 + di * 64 + dj: 72 + di * 64 + dj + RT, :]
            m = jnp.ones((RT, 1), jnp.bool_)
            if dj == -1:
                m = jnp.logical_and(m, wpos > 0)
            if dj == 1:
                m = jnp.logical_and(m, wpos < W - 1)
            if di == -1:
                m = jnp.logical_and(m, grow > 0)
            if di == 1:
                m = jnp.logical_and(m, grow < H - 1)
            w_row = wd_ref[a * 3 + b: a * 3 + b + 1, :]
            acc = acc + sl * w_row * m.astype(jnp.float32)
    gel = _gelu(acc)
    o_ref[...] = (zn_ref[...]
                  + jnp.dot(gel, w2_ref[...], preferred_element_type=jnp.float32)
                  + b2_ref[0:1, :])


def _conv_mlp2(h1, wd16, zn, w_fc2, b28):
    nb = N // RT
    upb = N // 64

    def cur_map(bb, t):
        return (bb * nb + t, 0)

    def prv_map(bb, t):
        return (jnp.maximum(bb * upb, (bb * nb + t) * 16 - 1), 0)

    def nxt_map(bb, t):
        return (jnp.minimum(bb * upb + upb - 1, (bb * nb + t) * 16 + 16), 0)

    return pl.pallas_call(
        _conv_body,
        grid=(B, nb),
        in_specs=[
            pl.BlockSpec((RT, HID), cur_map),
            pl.BlockSpec((64, HID), prv_map),
            pl.BlockSpec((64, HID), nxt_map),
            pl.BlockSpec((16, HID), lambda bb, t: (0, 0)),
            pl.BlockSpec((RT, C), cur_map),
            pl.BlockSpec((HID, C), lambda bb, t: (0, 0)),
            pl.BlockSpec((8, C), lambda bb, t: (0, 0)),
        ],
        out_specs=pl.BlockSpec((RT, C), cur_map),
        out_shape=jax.ShapeDtypeStruct((BN, C), jnp.float32),
    )(h1, h1, h1, wd16, zn, w_fc2, b28)


@jax.jit
def kernel(x, indices, norm1_g, norm1_b, w_qkv, w_proj, b_proj, norm2_g,
           norm2_b, w_fc1, b_fc1, w_dw, w_fc2, b_fc2):
    xt = jnp.transpose(x.reshape(B, C, N), (0, 2, 1)).reshape(BN, C)

    idx = indices.astype(jnp.int32) + (jnp.arange(B, dtype=jnp.int32) * N)[:, None]
    idx = jnp.concatenate(
        [idx, jnp.full((B, KP - K), DUMP, jnp.int32)], axis=1).reshape(-1)
    gidx = idx.reshape(32, 2, 128)
    sidx = idx.reshape(16, 4, 128)

    def r8(v):
        return jnp.broadcast_to(v[None, :], (8, v.shape[0]))

    g1, b1 = r8(norm1_g), r8(norm1_b)
    g2, b2 = r8(norm2_g), r8(norm2_b)
    bp8, b18, b28 = r8(b_proj), r8(b_fc1), r8(b_fc2)
    wd16 = jnp.concatenate(
        [w_dw.reshape(HID, 9).T, jnp.zeros((7, HID), jnp.float32)], axis=0)

    y = _ln1(xt, g1, b1)
    sel = _sc_gather(y, gidx)
    qkv = _qkv(sel, w_qkv)
    op = _attn(qkv, w_proj, bp8)
    y2 = _sc_scatter(y, op, sidx)
    zn, h1 = _mlp1(xt, y2[:BN], g2, b2, w_fc1, b18)
    out = _conv_mlp2(h1, wd16, zn, w_fc2, b28)
    return jnp.transpose(out.reshape(B, N, C), (0, 2, 1)).reshape(B, C, H, W)

# --- scband reference (transcript-rebuilt; emitter-appended) ---
"""Pipeline reference for scband-sparse-change-transformer-27255862460631 (READ-ONLY COPY).

The authoritative reference and input builder live on the scoring server;
editing this copy changes nothing except your own understanding.
"""

import jax, jax.numpy as jnp
import numpy as np

def _ln(x, g, b):
    m = jnp.mean(x, axis=-1, keepdims=True)
    v = jnp.var(x, axis=-1, keepdims=True)
    return (x - m) / jnp.sqrt(v + 1e-5) * g + b

def setup_inputs(seed: int = 0):
    key = jax.random.key(seed)
    ks = jax.random.split(key, 16)
    B, C, H, W = 4, 192, 64, 64
    K = 2000
    hidden = 768
    inp = {}
    inp["x"] = jax.random.normal(ks[0], (B, C, H, W), jnp.float32)
    inp["indices"] = jax.random.randint(ks[1], (B, K), 0, H * W)
    inp["norm1_g"] = jnp.ones((C,), jnp.float32)
    inp["norm1_b"] = jnp.zeros((C,), jnp.float32)
    inp["w_qkv"] = 0.02 * jax.random.normal(ks[2], (C, 3 * C), jnp.float32)
    inp["w_proj"] = 0.02 * jax.random.normal(ks[3], (C, C), jnp.float32)
    inp["b_proj"] = jnp.zeros((C,), jnp.float32)
    inp["norm2_g"] = jnp.ones((C,), jnp.float32)
    inp["norm2_b"] = jnp.zeros((C,), jnp.float32)
    inp["w_fc1"] = 0.02 * jax.random.normal(ks[4], (C, hidden), jnp.float32)
    inp["b_fc1"] = jnp.zeros((hidden,), jnp.float32)
    inp["w_dw"] = 0.02 * jax.random.normal(ks[5], (hidden, 1, 3, 3), jnp.float32)
    inp["w_fc2"] = 0.02 * jax.random.normal(ks[6], (hidden, C), jnp.float32)
    inp["b_fc2"] = jnp.zeros((C,), jnp.float32)
    return inp

def reference(x, indices, norm1_g, norm1_b, w_qkv, w_proj, b_proj, norm2_g, norm2_b, w_fc1, b_fc1, w_dw, w_fc2, b_fc2):
    num_heads = 3
    B, C, H, W = x.shape
    N = H * W
    K = indices.shape[1]
    hidden = w_fc1.shape[1]
    hd = C // num_heads
    # b c h w -> b (h w) c
    xn = jnp.transpose(x.reshape(B, C, N), (0, 2, 1))
    # norm1
    y = _ln(xn, norm1_g, norm1_b)
    # masked_attn: gather selected tokens, dense attention, scatter back
    br = jnp.arange(B)[:, None]
    sel = y[br, indices]  # (B, K, C)
    qkv = (sel @ w_qkv).reshape(B, K, 3, num_heads, hd).transpose(2, 0, 3, 1, 4)
    q, k, v = qkv[0], qkv[1], qkv[2]
    attn = jax.nn.softmax((q @ jnp.swapaxes(k, -2, -1)) * (hd ** -0.5), axis=-1)
    o = (attn @ v).transpose(0, 2, 1, 3).reshape(B, K, C)
    o = o @ w_proj + b_proj
    y = y.at[br, indices].set(o)
    # residual: x + masked_attn(norm1(x)) (whole tensor with selected rows replaced)
    xn = xn + y
    # norm2 then ConvMlp residual
    xn = _ln(xn, norm2_g, norm2_b)
    h1 = xn @ w_fc1 + b_fc1
    h1 = jnp.transpose(h1, (0, 2, 1)).reshape(B, hidden, H, W)
    h1 = jax.lax.conv_general_dilated(h1, w_dw, (1, 1), "SAME", feature_group_count=hidden, dimension_numbers=("NCHW", "OIHW", "NCHW"))
    h1 = jnp.transpose(h1.reshape(B, hidden, N), (0, 2, 1))
    h1 = jax.nn.gelu(h1, approximate=False)
    h1 = h1 @ w_fc2 + b_fc2
    xn = xn + h1
    return jnp.transpose(xn, (0, 2, 1)).reshape(B, C, H, W)

if __name__ == "__main__":
    import jax
    _d = setup_inputs()
    print(jax.jit(kernel)(*tuple(_d.values())))

</pallas_src>

<mosaic_0001>
#map = affine_map<(d0, d1) -> (0, 0)>
#map1 = affine_map<(d0, d1) -> (0, 0, 0)>
module attributes {stable_mosaic.version = 14 : i64} {
  func.func @k(%arg0: i32, %arg1: i32, %arg2: memref<16896x256xf32, #tpu.memory_space<hbm>>, %arg3: memref<8192x256xf32, #tpu.memory_space<hbm>>, %arg4: memref<16x4x128xi32, #tpu.memory_space<hbm>>, %arg5: memref<16896x256xf32, #tpu.memory_space<hbm>>, %arg6: memref<4x128xi32, #tpu.memory_space<vmem>>, %arg7: memref<256x256xf32, #tpu.memory_space<vmem>>, %arg8: memref<!tpu.dma_semaphore, #tpu.memory_space<semaphore_mem>>) attributes {dimension_semantics = [#tpu.dimension_semantics<core_parallel>, #tpu.dimension_semantics<subcore_parallel>], iteration_bounds = array<i64: 1, 16>, scalar_prefetch = 0 : i64, scratch_operands = 3 : i64, tpu.core_type = #tpu.core_type<sc_vector_subcore>, window_params = [{transform_indices = #map}, {transform_indices = #map}, {transform_indices = #map1}, {transform_indices = #map}]} {
    %mul3A = arith.constant 1024 : i32
    %mul3A_0 = arith.muli %arg1, %mul3A : i32
    %mul3A_1 = arith.constant 1024 : i32
    %mul3A_2 = arith.muli %arg1, %mul3A_1 : i32
    "tpu.region"() ({
      %run_scoped3A = tpu.sem_alloc : memref<!tpu.dma_semaphore, #tpu.memory_space<semaphore_mem>>
      %dma_start3A_88 = arith.constant 0 : i32
      %dma_start3A_89 = tpu.memref_slice %arg5[%mul3A_2, %dma_start3A_88] : memref<16896x256xf32, #tpu.memory_space<hbm>> -> memref<1024x256xf32, #tpu.memory_space<hbm>>
      %dma_start3A_90 = arith.constant 0 : i32
      %dma_start3A_91 = tpu.memref_slice %arg2[%mul3A_0, %dma_start3A_90] : memref<16896x256xf32, #tpu.memory_space<hbm>> -> memref<1024x256xf32, #tpu.memory_space<hbm>>
      tpu.enqueue_dma source(%dma_start3A_91 : memref<1024x256xf32, #tpu.memory_space<hbm>>) target(%dma_start3A_89 : memref<1024x256xf32, #tpu.memory_space<hbm>>) target_semaphore(%run_scoped3A : memref<!tpu.dma_semaphore, #tpu.memory_space<semaphore_mem>>)
      %dma_wait3A_92 = arith.constant 0 : i32
      %dma_wait3A_93 = tpu.memref_slice %arg5[%mul3A_2, %dma_wait3A_92] : memref<16896x256xf32, #tpu.memory_space<hbm>> -> memref<1024x256xf32, #tpu.memory_space<hbm>>
      %dma_wait3A_94 = arith.constant 0 : i32
      %dma_wait3A_95 = tpu.memref_slice %arg2[%mul3A_0, %dma_wait3A_94] : memref<16896x256xf32, #tpu.memory_space<hbm>> -> memref<1024x256xf32, #tpu.memory_space<hbm>>
      tpu.wait_dma2 semaphore(%run_scoped3A : memref<!tpu.dma_semaphore, #tpu.memory_space<semaphore_mem>>) src(%dma_wait3A_95 : memref<1024x256xf32, #tpu.memory_space<hbm>>) dst(%dma_wait3A_93 : memref<1024x256xf32, #tpu.memory_space<hbm>>)
      tpu.yield
    }) : () -> ()
    %barrier3A = arith.constant 0 : index
    tpu.barrier barrier_id(%barrier3A)
    "tpu.region"() ({
      %run_scoped3A = tpu.sem_alloc : memref<!tpu.dma_semaphore, #tpu.memory_space<semaphore_mem>>
      %dma_start3A_88 = arith.constant 0 : i32
      %dma_start3A_89 = arith.constant 0 : i32
      %dma_start3A_90 = tpu.memref_slice %arg4[%arg1, %dma_start3A_88, %dma_start3A_89] : memref<16x4x128xi32, #tpu.memory_space<hbm>> -> memref<1x4x128xi32, #tpu.memory_space<hbm>>
      %dma_start3A_91 = tpu.memref_squeeze %dma_start3A_90 : memref<1x4x128xi32, #tpu.memory_space<hbm>> -> memref<4x128xi32, #tpu.memory_space<hbm>>
      %dma_start3A_92 = arith.constant 0 : i32
      %dma_start3A_93 = arith.constant 0 : i32
      %dma_start3A_94 = tpu.memref_slice %arg4[%arg1, %dma_start3A_92, %dma_start3A_93] : memref<16x4x128xi32, #tpu.memory_space<hbm>> -> memref<1x4x128xi32, #tpu.memory_space<hbm>>
      %dma_start3A_95 = tpu.memref_squeeze %dma_start3A_94 : memref<1x4x128xi32, #tpu.memory_space<hbm>> -> memref<4x128xi32, #tpu.memory_space<hbm>>
      tpu.enqueue_dma source(%dma_start3A_95 : memref<4x128xi32, #tpu.memory_space<hbm>>) target(%arg6 : memref<4x128xi32, #tpu.memory_space<vmem>>) target_semaphore(%run_scoped3A : memref<!tpu.dma_semaphore, #tpu.memory_space<semaphore_mem>>)
      %dma_wait3A_96 = arith.constant 0 : i32
      %dma_wait3A_97 = arith.constant 0 : i32
      %dma_wait3A_98 = tpu.memref_slice %arg4[%arg1, %dma_wait3A_96, %dma_wait3A_97] : memref<16x4x128xi32, #tpu.memory_space<hbm>> -> memref<1x4x128xi32, #tpu.memory_space<hbm>>
      %dma_wait3A_99 = tpu.memref_squeeze %dma_wait3A_98 : memref<1x4x128xi32, #tpu.memory_space<hbm>> -> memref<4x128xi32, #tpu.memory_space<hbm>>
      %dma_wait3A_100 = arith.constant 0 : i32
      %dma_wait3A_101 = arith.constant 0 : i32
      %dma_wait3A_102 = tpu.memref_slice %arg4[%arg1, %dma_wait3A_100, %dma_wait3A_101] : memref<16x4x128xi32, #tpu.memory_space<hbm>> -> memref<1x4x128xi32, #tpu.memory_space<hbm>>
      %dma_wait3A_103 = tpu.memref_squeeze %dma_wait3A_102 : memref<1x4x128xi32, #tpu.memory_space<hbm>> -> memref<4x128xi32, #tpu.memory_space<hbm>>
      tpu.wait_dma2 semaphore(%run_scoped3A : memref<!tpu.dma_semaphore, #tpu.memory_space<semaphore_mem>>) src(%dma_wait3A_103 : memref<4x128xi32, #tpu.memory_space<hbm>>) dst(%arg6 : memref<4x128xi32, #tpu.memory_space<vmem>>)
      tpu.yield
    }) : () -> ()
    %mul3A_3 = arith.constant 512 : i32
    %mul3A_4 = arith.muli %arg1, %mul3A_3 : i32
    %add3A = arith.constant 0 : i32
    %add3A_5 = arith.addi %mul3A_4, %add3A : i32
    "tpu.region"() ({
      %run_scoped3A = tpu.sem_alloc : memref<!tpu.dma_semaphore, #tpu.memory_space<semaphore_mem>>
      %dma_start3A_88 = arith.constant 0 : i32
      %dma_start3A_89 = tpu.memref_slice %arg3[%add3A_5, %dma_start3A_88] : memref<8192x256xf32, #tpu.memory_space<hbm>> -> memref<256x256xf32, #tpu.memory_space<hbm>>
      %dma_start3A_90 = arith.constant 0 : i32
      %dma_start3A_91 = tpu.memref_slice %arg3[%add3A_5, %dma_start3A_90] : memref<8192x256xf32, #tpu.memory_space<hbm>> -> memref<256x256xf32, #tpu.memory_space<hbm>>
      tpu.enqueue_dma source(%dma_start3A_91 : memref<256x256xf32, #tpu.memory_space<hbm>>) target(%arg7 : memref<256x256xf32, #tpu.memory_space<vmem>>) target_semaphore(%run_scoped3A : memref<!tpu.dma_semaphore, #tpu.memory_space<semaphore_mem>>)
      %dma_wait3A_92 = arith.constant 0 : i32
      %dma_wait3A_93 = tpu.memref_slice %arg3[%add3A_5, %dma_wait3A_92] : memref<8192x256xf32, #tpu.memory_space<hbm>> -> memref<256x256xf32, #tpu.memory_space<hbm>>
      %dma_wait3A_94 = arith.constant 0 : i32
      %dma_wait3A_95 = tpu.memref_slice %arg3[%add3A_5, %dma_wait3A_94] : memref<8192x256xf32, #tpu.memory_space<hbm>> -> memref<256x256xf32, #tpu.memory_space<hbm>>
      tpu.wait_dma2 semaphore(%run_scoped3A : memref<!tpu.dma_semaphore, #tpu.memory_space<semaphore_mem>>) src(%dma_wait3A_95 : memref<256x256xf32, #tpu.memory_space<hbm>>) dst(%arg7 : memref<256x256xf32, #tpu.memory_space<vmem>>)
      tpu.yield
    }) : () -> ()
    %dma_start3A = arith.constant 0 : i32
    %dma_start3A_6 = arith.constant 0 : i32
    %dma_start3A_7 = arith.constant 0 : i32
    %dma_start3A_8 = tpu.memref_slice %arg7[%dma_start3A_6, %dma_start3A_7] : memref<256x256xf32, #tpu.memory_space<vmem>> -> memref<128x256xf32, #tpu.memory_space<vmem>>
    %dma_start3A_9 = arith.constant 0 : i32
    %dma_start3A_10 = tpu.memref_slice %arg6[%dma_start3A, %dma_start3A_9] : memref<4x128xi32, #tpu.memory_space<vmem>> -> memref<1x128xi32, #tpu.memory_space<vmem>>
    %dma_start3A_11 = tpu.memref_squeeze %dma_start3A_10 : memref<1x128xi32, #tpu.memory_space<vmem>> -> memref<128xi32, #tpu.memory_space<vmem>>
    %dma_start3A_12 = arith.constant 0 : i32
    %dma_start3A_13 = arith.constant 0 : i32
    %dma_start3A_14 = tpu.memref_slice %arg5[%dma_start3A_12, %dma_start3A_13] : memref<16896x256xf32, #tpu.memory_space<hbm>> -> memref<16896x256xf32, #tpu.memory_space<hbm>>
    tpu.enqueue_indirect_dma source(%dma_start3A_8 : memref<128x256xf32, #tpu.memory_space<vmem>>) target(%dma_start3A_14 : memref<16896x256xf32, #tpu.memory_space<hbm>>) offsets(%dma_start3A_11 : memref<128xi32, #tpu.memory_space<vmem>>) semaphore(%arg8 : memref<!tpu.dma_semaphore, #tpu.memory_space<semaphore_mem>>)
    %dma_start3A_15 = arith.constant 1 : i32
    %dma_start3A_16 = arith.constant 128 : i32
    %dma_start3A_17 = arith.constant 0 : i32
    %dma_start3A_18 = tpu.memref_slice %arg7[%dma_start3A_16, %dma_start3A_17] : memref<256x256xf32, #tpu.memory_space<vmem>> -> memref<128x256xf32, #tpu.memory_space<vmem>>
    %dma_start3A_19 = arith.constant 0 : i32
    %dma_start3A_20 = tpu.memref_slice %arg6[%dma_start3A_15, %dma_start3A_19] : memref<4x128xi32, #tpu.memory_space<vmem>> -> memref<1x128xi32, #tpu.memory_space<vmem>>
    %dma_start3A_21 = tpu.memref_squeeze %dma_start3A_20 : memref<1x128xi32, #tpu.memory_space<vmem>> -> memref<128xi32, #tpu.memory_space<vmem>>
    %dma_start3A_22 = arith.constant 0 : i32
    %dma_start3A_23 = arith.constant 0 : i32
    %dma_start3A_24 = tpu.memref_slice %arg5[%dma_start3A_22, %dma_start3A_23] : memref<16896x256xf32, #tpu.memory_space<hbm>> -> memref<16896x256xf32, #tpu.memory_space<hbm>>
    tpu.enqueue_indirect_dma source(%dma_start3A_18 : memref<128x256xf32, #tpu.memory_space<vmem>>) target(%dma_start3A_24 : memref<16896x256xf32, #tpu.memory_space<hbm>>) offsets(%dma_start3A_21 : memref<128xi32, #tpu.memory_space<vmem>>) semaphore(%arg8 : memref<!tpu.dma_semaphore, #tpu.memory_space<semaphore_mem>>)
    %dma_wait3A = arith.constant 0 : i32
    %dma_wait3A_25 = arith.constant 0 : i32
    %dma_wait3A_26 = arith.constant 0 : i32
    %dma_wait3A_27 = tpu.memref_slice %arg7[%dma_wait3A_25, %dma_wait3A_26] : memref<256x256xf32, #tpu.memory_space<vmem>> -> memref<128x256xf32, #tpu.memory_space<vmem>>
    %dma_wait3A_28 = arith.constant 0 : i32
    %dma_wait3A_29 = tpu.memref_slice %arg6[%dma_wait3A, %dma_wait3A_28] : memref<4x128xi32, #tpu.memory_space<vmem>> -> memref<1x128xi32, #tpu.memory_space<vmem>>
    %dma_wait3A_30 = tpu.memref_squeeze %dma_wait3A_29 : memref<1x128xi32, #tpu.memory_space<vmem>> -> memref<128xi32, #tpu.memory_space<vmem>>
    %dma_wait3A_31 = arith.constant 0 : i32
    %dma_wait3A_32 = arith.constant 0 : i32
    %dma_wait3A_33 = tpu.memref_slice %arg5[%dma_wait3A_31, %dma_wait3A_32] : memref<16896x256xf32, #tpu.memory_space<hbm>> -> memref<16896x256xf32, #tpu.memory_space<hbm>>
    tpu.wait_indirect_dma semaphore(%arg8 : memref<!tpu.dma_semaphore, #tpu.memory_space<semaphore_mem>>) src(%dma_wait3A_27 : memref<128x256xf32, #tpu.memory_space<vmem>>) dst(%dma_wait3A_33 : memref<16896x256xf32, #tpu.memory_space<hbm>>)
    %dma_wait3A_34 = arith.constant 1 : i32
    %dma_wait3A_35 = arith.constant 128 : i32
    %dma_wait3A_36 = arith.constant 0 : i32
    %dma_wait3A_37 = tpu.memref_slice %arg7[%dma_wait3A_35, %dma_wait3A_36] : memref<256x256xf32, #tpu.memory_space<vmem>> -> memref<128x256xf32, #tpu.memory_space<vmem>>
    %dma_wait3A_38 = arith.constant 0 : i32
    %dma_wait3A_39 = tpu.memref_slice %arg6[%dma_wait3A_34, %dma_wait3A_38] : memref<4x128xi32, #tpu.memory_space<vmem>> -> memref<1x128xi32, #tpu.memory_space<vmem>>
    %dma_wait3A_40 = tpu.memref_squeeze %dma_wait3A_39 : memref<1x128xi32, #tpu.memory_space<vmem>> -> memref<128xi32, #tpu.memory_space<vmem>>
    %dma_wait3A_41 = arith.constant 0 : i32
    %dma_wait3A_42 = arith.constant 0 : i32
    %dma_wait3A_43 = tpu.memref_slice %arg5[%dma_wait3A_41, %dma_wait3A_42] : memref<16896x256xf32, #tpu.memory_space<hbm>> -> memref<16896x256xf32, #tpu.memory_space<hbm>>
    tpu.wait_indirect_dma semaphore(%arg8 : memref<!tpu.dma_semaphore, #tpu.memory_space<semaphore_mem>>) src(%dma_wait3A_37 : memref<128x256xf32, #tpu.memory_space<vmem>>) dst(%dma_wait3A_43 : memref<16896x256xf32, #tpu.memory_space<hbm>>)
    %mul3A_44 = arith.constant 512 : i32
    %mul3A_45 = arith.muli %arg1, %mul3A_44 : i32
    %add3A_46 = arith.constant 256 : i32
    %add3A_47 = arith.addi %mul3A_45, %add3A_46 : i32
    "tpu.region"() ({
      %run_scoped3A = tpu.sem_alloc : memref<!tpu.dma_semaphore, #tpu.memory_space<semaphore_mem>>
      %dma_start3A_88 = arith.constant 0 : i32
      %dma_start3A_89 = tpu.memref_slice %arg3[%add3A_47, %dma_start3A_88] : memref<8192x256xf32, #tpu.memory_space<hbm>> -> memref<256x256xf32, #tpu.memory_space<hbm>>
      %dma_start3A_90 = arith.constant 0 : i32
      %dma_start3A_91 = tpu.memref_slice %arg3[%add3A_47, %dma_start3A_90] : memref<8192x256xf32, #tpu.memory_space<hbm>> -> memref<256x256xf32, #tpu.memory_space<hbm>>
      tpu.enqueue_dma source(%dma_start3A_91 : memref<256x256xf32, #tpu.memory_space<hbm>>) target(%arg7 : memref<256x256xf32, #tpu.memory_space<vmem>>) target_semaphore(%run_scoped3A : memref<!tpu.dma_semaphore, #tpu.memory_space<semaphore_mem>>)
      %dma_wait3A_92 = arith.constant 0 : i32
      %dma_wait3A_93 = tpu.memref_slice %arg3[%add3A_47, %dma_wait3A_92] : memref<8192x256xf32, #tpu.memory_space<hbm>> -> memref<256x256xf32, #tpu.memory_space<hbm>>
      %dma_wait3A_94 = arith.constant 0 : i32
      %dma_wait3A_95 = tpu.memref_slice %arg3[%add3A_47, %dma_wait3A_94] : memref<8192x256xf32, #tpu.memory_space<hbm>> -> memref<256x256xf32, #tpu.memory_space<hbm>>
      tpu.wait_dma2 semaphore(%run_scoped3A : memref<!tpu.dma_semaphore, #tpu.memory_space<semaphore_mem>>) src(%dma_wait3A_95 : memref<256x256xf32, #tpu.memory_space<hbm>>) dst(%arg7 : memref<256x256xf32, #tpu.memory_space<vmem>>)
      tpu.yield
    }) : () -> ()
    %dma_start3A_48 = arith.constant 2 : i32
    %dma_start3A_49 = arith.constant 0 : i32
    %dma_start3A_50 = arith.constant 0 : i32
    %dma_start3A_51 = tpu.memref_slice %arg7[%dma_start3A_49, %dma_start3A_50] : memref<256x256xf32, #tpu.memory_space<vmem>> -> memref<128x256xf32, #tpu.memory_space<vmem>>
    %dma_start3A_52 = arith.constant 0 : i32
    %dma_start3A_53 = tpu.memref_slice %arg6[%dma_start3A_48, %dma_start3A_52] : memref<4x128xi32, #tpu.memory_space<vmem>> -> memref<1x128xi32, #tpu.memory_space<vmem>>
    %dma_start3A_54 = tpu.memref_squeeze %dma_start3A_53 : memref<1x128xi32, #tpu.memory_space<vmem>> -> memref<128xi32, #tpu.memory_space<vmem>>
    %dma_start3A_55 = arith.constant 0 : i32
    %dma_start3A_56 = arith.constant 0 : i32
    %dma_start3A_57 = tpu.memref_slice %arg5[%dma_start3A_55, %dma_start3A_56] : memref<16896x256xf32, #tpu.memory_space<hbm>> -> memref<16896x256xf32, #tpu.memory_space<hbm>>
    tpu.enqueue_indirect_dma source(%dma_start3A_51 : memref<128x256xf32, #tpu.memory_space<vmem>>) target(%dma_start3A_57 : memref<16896x256xf32, #tpu.memory_space<hbm>>) offsets(%dma_start3A_54 : memref<128xi32, #tpu.memory_space<vmem>>) semaphore(%arg8 : memref<!tpu.dma_semaphore, #tpu.memory_space<semaphore_mem>>)
    %dma_start3A_58 = arith.constant 3 : i32
    %dma_start3A_59 = arith.constant 128 : i32
    %dma_start3A_60 = arith.constant 0 : i32
    %dma_start3A_61 = tpu.memref_slice %arg7[%dma_start3A_59, %dma_start3A_60] : memref<256x256xf32, #tpu.memory_space<vmem>> -> memref<128x256xf32, #tpu.memory_space<vmem>>
    %dma_start3A_62 = arith.constant 0 : i32
    %dma_start3A_63 = tpu.memref_slice %arg6[%dma_start3A_58, %dma_start3A_62] : memref<4x128xi32, #tpu.memory_space<vmem>> -> memref<1x128xi32, #tpu.memory_space<vmem>>
    %dma_start3A_64 = tpu.memref_squeeze %dma_start3A_63 : memref<1x128xi32, #tpu.memory_space<vmem>> -> memref<128xi32, #tpu.memory_space<vmem>>
    %dma_start3A_65 = arith.constant 0 : i32
    %dma_start3A_66 = arith.constant 0 : i32
    %dma_start3A_67 = tpu.memref_slice %arg5[%dma_start3A_65, %dma_start3A_66] : memref<16896x256xf32, #tpu.memory_space<hbm>> -> memref<16896x256xf32, #tpu.memory_space<hbm>>
    tpu.enqueue_indirect_dma source(%dma_start3A_61 : memref<128x256xf32, #tpu.memory_space<vmem>>) target(%dma_start3A_67 : memref<16896x256xf32, #tpu.memory_space<hbm>>) offsets(%dma_start3A_64 : memref<128xi32, #tpu.memory_space<vmem>>) semaphore(%arg8 : memref<!tpu.dma_semaphore, #tpu.memory_space<semaphore_mem>>)
    %dma_wait3A_68 = arith.constant 2 : i32
    %dma_wait3A_69 = arith.constant 0 : i32
    %dma_wait3A_70 = arith.constant 0 : i32
    %dma_wait3A_71 = tpu.memref_slice %arg7[%dma_wait3A_69, %dma_wait3A_70] : memref<256x256xf32, #tpu.memory_space<vmem>> -> memref<128x256xf32, #tpu.memory_space<vmem>>
    %dma_wait3A_72 = arith.constant 0 : i32
    %dma_wait3A_73 = tpu.memref_slice %arg6[%dma_wait3A_68, %dma_wait3A_72] : memref<4x128xi32, #tpu.memory_space<vmem>> -> memref<1x128xi32, #tpu.memory_space<vmem>>
    %dma_wait3A_74 = tpu.memref_squeeze %dma_wait3A_73 : memref<1x128xi32, #tpu.memory_space<vmem>> -> memref<128xi32, #tpu.memory_space<vmem>>
    %dma_wait3A_75 = arith.constant 0 : i32
    %dma_wait3A_76 = arith.constant 0 : i32
    %dma_wait3A_77 = tpu.memref_slice %arg5[%dma_wait3A_75, %dma_wait3A_76] : memref<16896x256xf32, #tpu.memory_space<hbm>> -> memref<16896x256xf32, #tpu.memory_space<hbm>>
    tpu.wait_indirect_dma semaphore(%arg8 : memref<!tpu.dma_semaphore, #tpu.memory_space<semaphore_mem>>) src(%dma_wait3A_71 : memref<128x256xf32, #tpu.memory_space<vmem>>) dst(%dma_wait3A_77 : memref<16896x256xf32, #tpu.memory_space<hbm>>)
    %dma_wait3A_78 = arith.constant 3 : i32
    %dma_wait3A_79 = arith.constant 128 : i32
    %dma_wait3A_80 = arith.constant 0 : i32
    %dma_wait3A_81 = tpu.memref_slice %arg7[%dma_wait3A_79, %dma_wait3A_80] : memref<256x256xf32, #tpu.memory_space<vmem>> -> memref<128x256xf32, #tpu.memory_space<vmem>>
    %dma_wait3A_82 = arith.constant 0 : i32
    %dma_wait3A_83 = tpu.memref_slice %arg6[%dma_wait3A_78, %dma_wait3A_82] : memref<4x128xi32, #tpu.memory_space<vmem>> -> memref<1x128xi32, #tpu.memory_space<vmem>>
    %dma_wait3A_84 = tpu.memref_squeeze %dma_wait3A_83 : memref<1x128xi32, #tpu.memory_space<vmem>> -> memref<128xi32, #tpu.memory_space<vmem>>
    %dma_wait3A_85 = arith.constant 0 : i32
    %dma_wait3A_86 = arith.constant 0 : i32
    %dma_wait3A_87 = tpu.memref_slice %arg5[%dma_wait3A_85, %dma_wait3A_86] : memref<16896x256xf32, #tpu.memory_space<hbm>> -> memref<16896x256xf32, #tpu.memory_space<hbm>>
    tpu.wait_indirect_dma semaphore(%arg8 : memref<!tpu.dma_semaphore, #tpu.memory_space<semaphore_mem>>) src(%dma_wait3A_81 : memref<128x256xf32, #tpu.memory_space<vmem>>) dst(%dma_wait3A_87 : memref<16896x256xf32, #tpu.memory_space<hbm>>)
    return
  }
}

#map = affine_map<(d0, d1) -> (0, 0)>
#map1 = affine_map<(d0, d1) -> (0, 0, 0)>
module attributes {stable_mosaic.version = 14 : i64} {
  func.func @k(%arg0: i32, %arg1: i32, %arg2: memref<16896x256xf32, #tpu.memory_space<hbm>>, %arg3: memref<32x2x128xi32, #tpu.memory_space<hbm>>, %arg4: memref<8192x256xf32, #tpu.memory_space<hbm>>, %arg5: memref<2x128xi32, #tpu.memory_space<vmem>>, %arg6: memref<256x256xf32, #tpu.memory_space<vmem>>, %arg7: memref<!tpu.dma_semaphore, #tpu.memory_space<semaphore_mem>>) attributes {dimension_semantics = [#tpu.dimension_semantics<core_parallel>, #tpu.dimension_semantics<subcore_parallel>], iteration_bounds = array<i64: 2, 16>, scalar_prefetch = 0 : i64, scratch_operands = 3 : i64, tpu.core_type = #tpu.core_type<sc_vector_subcore>, window_params = [{transform_indices = #map}, {transform_indices = #map1}, {transform_indices = #map}]} {
    %mul3A = arith.constant 2 : i32
    %mul3A_0 = arith.muli %arg1, %mul3A : i32
    %add3A = arith.addi %mul3A_0, %arg0 : i32
    "tpu.region"() ({
      %run_scoped3A = tpu.sem_alloc : memref<!tpu.dma_semaphore, #tpu.memory_space<semaphore_mem>>
      %dma_start3A_41 = arith.constant 0 : i32
      %dma_start3A_42 = arith.constant 0 : i32
      %dma_start3A_43 = tpu.memref_slice %arg3[%add3A, %dma_start3A_41, %dma_start3A_42] : memref<32x2x128xi32, #tpu.memory_space<hbm>> -> memref<1x2x128xi32, #tpu.memory_space<hbm>>
      %dma_start3A_44 = tpu.memref_squeeze %dma_start3A_43 : memref<1x2x128xi32, #tpu.memory_space<hbm>> -> memref<2x128xi32, #tpu.memory_space<hbm>>
      %dma_start3A_45 = arith.constant 0 : i32
      %dma_start3A_46 = arith.constant 0 : i32
      %dma_start3A_47 = tpu.memref_slice %arg3[%add3A, %dma_start3A_45, %dma_start3A_46] : memref<32x2x128xi32, #tpu.memory_space<hbm>> -> memref<1x2x128xi32, #tpu.memory_space<hbm>>
      %dma_start3A_48 = tpu.memref_squeeze %dma_start3A_47 : memref<1x2x128xi32, #tpu.memory_space<hbm>> -> memref<2x128xi32, #tpu.memory_space<hbm>>
      tpu.enqueue_dma source(%dma_start3A_48 : memref<2x128xi32, #tpu.memory_space<hbm>>) target(%arg5 : memref<2x128xi32, #tpu.memory_space<vmem>>) target_semaphore(%run_scoped3A : memref<!tpu.dma_semaphore, #tpu.memory_space<semaphore_mem>>)
      %dma_wait3A_49 = arith.constant 0 : i32
      %dma_wait3A_50 = arith.constant 0 : i32
      %dma_wait3A_51 = tpu.memref_slice %arg3[%add3A, %dma_wait3A_49, %dma_wait3A_50] : memref<32x2x128xi32, #tpu.memory_space<hbm>> -> memref<1x2x128xi32, #tpu.memory_space<hbm>>
      %dma_wait3A_52 = tpu.memref_squeeze %dma_wait3A_51 : memref<1x2x128xi32, #tpu.memory_space<hbm>> -> memref<2x128xi32, #tpu.memory_space<hbm>>
      %dma_wait3A_53 = arith.constant 0 : i32
      %dma_wait3A_54 = arith.constant 0 : i32
      %dma_wait3A_55 = tpu.memref_slice %arg3[%add3A, %dma_wait3A_53, %dma_wait3A_54] : memref<32x2x128xi32, #tpu.memory_space<hbm>> -> memref<1x2x128xi32, #tpu.memory_space<hbm>>
      %dma_wait3A_56 = tpu.memref_squeeze %dma_wait3A_55 : memref<1x2x128xi32, #tpu.memory_space<hbm>> -> memref<2x128xi32, #tpu.memory_space<hbm>>
      tpu.wait_dma2 semaphore(%run_scoped3A : memref<!tpu.dma_semaphore, #tpu.memory_space<semaphore_mem>>) src(%dma_wait3A_56 : memref<2x128xi32, #tpu.memory_space<hbm>>) dst(%arg5 : memref<2x128xi32, #tpu.memory_space<vmem>>)
      tpu.yield
    }) : () -> ()
    %dma_start3A = arith.constant 0 : i32
    %dma_start3A_1 = arith.constant 0 : i32
    %dma_start3A_2 = arith.constant 0 : i32
    %dma_start3A_3 = tpu.memref_slice %arg6[%dma_start3A_1, %dma_start3A_2] : memref<256x256xf32, #tpu.memory_space<vmem>> -> memref<128x256xf32, #tpu.memory_space<vmem>>
    %dma_start3A_4 = arith.constant 0 : i32
    %dma_start3A_5 = tpu.memref_slice %arg5[%dma_start3A, %dma_start3A_4] : memref<2x128xi32, #tpu.memory_space<vmem>> -> memref<1x128xi32, #tpu.memory_space<vmem>>
    %dma_start3A_6 = tpu.memref_squeeze %dma_start3A_5 : memref<1x128xi32, #tpu.memory_space<vmem>> -> memref<128xi32, #tpu.memory_space<vmem>>
    %dma_start3A_7 = arith.constant 0 : i32
    %dma_start3A_8 = arith.constant 0 : i32
    %dma_start3A_9 = tpu.memref_slice %arg2[%dma_start3A_7, %dma_start3A_8] : memref<16896x256xf32, #tpu.memory_space<hbm>> -> memref<16896x256xf32, #tpu.memory_space<hbm>>
    tpu.enqueue_indirect_dma source(%dma_start3A_9 : memref<16896x256xf32, #tpu.memory_space<hbm>>) target(%dma_start3A_3 : memref<128x256xf32, #tpu.memory_space<vmem>>) offsets(%dma_start3A_6 : memref<128xi32, #tpu.memory_space<vmem>>) semaphore(%arg7 : memref<!tpu.dma_semaphore, #tpu.memory_space<semaphore_mem>>)
    %dma_start3A_10 = arith.constant 1 : i32
    %dma_start3A_11 = arith.constant 128 : i32
    %dma_start3A_12 = arith.constant 0 : i32
    %dma_start3A_13 = tpu.memref_slice %arg6[%dma_start3A_11, %dma_start3A_12] : memref<256x256xf32, #tpu.memory_space<vmem>> -> memref<128x256xf32, #tpu.memory_space<vmem>>
    %dma_start3A_14 = arith.constant 0 : i32
    %dma_start3A_15 = tpu.memref_slice %arg5[%dma_start3A_10, %dma_start3A_14] : memref<2x128xi32, #tpu.memory_space<vmem>> -> memref<1x128xi32, #tpu.memory_space<vmem>>
    %dma_start3A_16 = tpu.memref_squeeze %dma_start3A_15 : memref<1x128xi32, #tpu.memory_space<vmem>> -> memref<128xi32, #tpu.memory_space<vmem>>
    %dma_start3A_17 = arith.constant 0 : i32
    %dma_start3A_18 = arith.constant 0 : i32
    %dma_start3A_19 = tpu.memref_slice %arg2[%dma_start3A_17, %dma_start3A_18] : memref<16896x256xf32, #tpu.memory_space<hbm>> -> memref<16896x256xf32, #tpu.memory_space<hbm>>
    tpu.enqueue_indirect_dma source(%dma_start3A_19 : memref<16896x256xf32, #tpu.memory_space<hbm>>) target(%dma_start3A_13 : memref<128x256xf32, #tpu.memory_space<vmem>>) offsets(%dma_start3A_16 : memref<128xi32, #tpu.memory_space<vmem>>) semaphore(%arg7 : memref<!tpu.dma_semaphore, #tpu.memory_space<semaphore_mem>>)
    %dma_wait3A = arith.constant 0 : i32
    %dma_wait3A_20 = arith.constant 0 : i32
    %dma_wait3A_21 = arith.constant 0 : i32
    %dma_wait3A_22 = tpu.memref_slice %arg6[%dma_wait3A_20, %dma_wait3A_21] : memref<256x256xf32, #tpu.memory_space<vmem>> -> memref<128x256xf32, #tpu.memory_space<vmem>>
    %dma_wait3A_23 = arith.constant 0 : i32
    %dma_wait3A_24 = tpu.memref_slice %arg5[%dma_wait3A, %dma_wait3A_23] : memref<2x128xi32, #tpu.memory_space<vmem>> -> memref<1x128xi32, #tpu.memory_space<vmem>>
    %dma_wait3A_25 = tpu.memref_squeeze %dma_wait3A_24 : memref<1x128xi32, #tpu.memory_space<vmem>> -> memref<128xi32, #tpu.memory_space<vmem>>
    %dma_wait3A_26 = arith.constant 0 : i32
    %dma_wait3A_27 = arith.constant 0 : i32
    %dma_wait3A_28 = tpu.memref_slice %arg2[%dma_wait3A_26, %dma_wait3A_27] : memref<16896x256xf32, #tpu.memory_space<hbm>> -> memref<16896x256xf32, #tpu.memory_space<hbm>>
    tpu.wait_indirect_dma semaphore(%arg7 : memref<!tpu.dma_semaphore, #tpu.memory_space<semaphore_mem>>) src(%dma_wait3A_28 : memref<16896x256xf32, #tpu.memory_space<hbm>>) dst(%dma_wait3A_22 : memref<128x256xf32, #tpu.memory_space<vmem>>)
    %dma_wait3A_29 = arith.constant 1 : i32
    %dma_wait3A_30 = arith.constant 128 : i32
    %dma_wait3A_31 = arith.constant 0 : i32
    %dma_wait3A_32 = tpu.memref_slice %arg6[%dma_wait3A_30, %dma_wait3A_31] : memref<256x256xf32, #tpu.memory_space<vmem>> -> memref<128x256xf32, #tpu.memory_space<vmem>>
    %dma_wait3A_33 = arith.constant 0 : i32
    %dma_wait3A_34 = tpu.memref_slice %arg5[%dma_wait3A_29, %dma_wait3A_33] : memref<2x128xi32, #tpu.memory_space<vmem>> -> memref<1x128xi32, #tpu.memory_space<vmem>>
    %dma_wait3A_35 = tpu.memref_squeeze %dma_wait3A_34 : memref<1x128xi32, #tpu.memory_space<vmem>> -> memref<128xi32, #tpu.memory_space<vmem>>
    %dma_wait3A_36 = arith.constant 0 : i32
    %dma_wait3A_37 = arith.constant 0 : i32
    %dma_wait3A_38 = tpu.memref_slice %arg2[%dma_wait3A_36, %dma_wait3A_37] : memref<16896x256xf32, #tpu.memory_space<hbm>> -> memref<16896x256xf32, #tpu.memory_space<hbm>>
    tpu.wait_indirect_dma semaphore(%arg7 : memref<!tpu.dma_semaphore, #tpu.memory_space<semaphore_mem>>) src(%dma_wait3A_38 : memref<16896x256xf32, #tpu.memory_space<hbm>>) dst(%dma_wait3A_32 : memref<128x256xf32, #tpu.memory_space<vmem>>)
    %mul3A_39 = arith.constant 256 : i32
    %mul3A_40 = arith.muli %add3A, %mul3A_39 : i32
    "tpu.region"() ({
      %run_scoped3A = tpu.sem_alloc : memref<!tpu.dma_semaphore, #tpu.memory_space<semaphore_mem>>
      %dma_start3A_41 = arith.constant 0 : i32
      %dma_start3A_42 = tpu.memref_slice %arg4[%mul3A_40, %dma_start3A_41] : memref<8192x256xf32, #tpu.memory_space<hbm>> -> memref<256x256xf32, #tpu.memory_space<hbm>>
      %dma_start3A_43 = arith.constant 0 : i32
      %dma_start3A_44 = tpu.memref_slice %arg4[%mul3A_40, %dma_start3A_43] : memref<8192x256xf32, #tpu.memory_space<hbm>> -> memref<256x256xf32, #tpu.memory_space<hbm>>
      tpu.enqueue_dma source(%arg6 : memref<256x256xf32, #tpu.memory_space<vmem>>) target(%dma_start3A_44 : memref<256x256xf32, #tpu.memory_space<hbm>>) target_semaphore(%run_scoped3A : memref<!tpu.dma_semaphore, #tpu.memory_space<semaphore_mem>>)
      %dma_wait3A_45 = arith.constant 0 : i32
      %dma_wait3A_46 = tpu.memref_slice %arg4[%mul3A_40, %dma_wait3A_45] : memref<8192x256xf32, #tpu.memory_space<hbm>> -> memref<256x256xf32, #tpu.memory_space<hbm>>
      %dma_wait3A_47 = arith.constant 0 : i32
      %dma_wait3A_48 = tpu.memref_slice %arg4[%mul3A_40, %dma_wait3A_47] : memref<8192x256xf32, #tpu.memory_space<hbm>> -> memref<256x256xf32, #tpu.memory_space<hbm>>
      tpu.wait_dma2 semaphore(%run_scoped3A : memref<!tpu.dma_semaphore, #tpu.memory_space<semaphore_mem>>) src(%arg6 : memref<256x256xf32, #tpu.memory_space<vmem>>) dst(%dma_wait3A_48 : memref<256x256xf32, #tpu.memory_space<hbm>>)
      tpu.yield
    }) : () -> ()
    return
  }
}

module attributes {stable_mosaic.version = 14 : i64} {
  func.func @_ln1_body(%arg0: i32, %arg1: memref<512x192xf32, #tpu.memory_space<vmem>>, %arg2: memref<8x192xf32, #tpu.memory_space<vmem>>, %arg3: memref<8x192xf32, #tpu.memory_space<vmem>>, %arg4: memref<512x256xf32, #tpu.memory_space<vmem>>) attributes {dimension_semantics = [#tpu.dimension_semantics<arbitrary>], iteration_bounds = array<i64: 33>, scalar_prefetch = 0 : i64, scratch_operands = 0 : i64, tpu.core_type = #tpu.core_type<tc>, window_params = [{transform_indices = @transform_0, window_bounds = array<i64: 512, 192>}, {pipeline_mode = #tpu.pipeline_mode<synchronous>, transform_indices = @transform_1, window_bounds = array<i64: 8, 192>}, {pipeline_mode = #tpu.pipeline_mode<synchronous>, transform_indices = @transform_2, window_bounds = array<i64: 8, 192>}, {transform_indices = @transform_3, window_bounds = array<i64: 512, 256>}]} {
    %get3A = arith.constant 0 : index
    %get3A_0 = arith.constant 0 : index
    %get3A_1 = vector.load %arg1[%get3A, %get3A_0] : memref<512x192xf32, #tpu.memory_space<vmem>>, vector<512x192xf32>
    %get3A_2 = arith.constant 0 : index
    %get3A_3 = arith.constant 0 : index
    %get3A_4 = vector.load %arg2[%get3A_2, %get3A_3] : memref<8x192xf32, #tpu.memory_space<vmem>>, vector<1x192xf32>
    %get3A_5 = arith.constant 0 : index
    %get3A_6 = arith.constant 0 : index
    %get3A_7 = vector.load %arg3[%get3A_5, %get3A_6] : memref<8x192xf32, #tpu.memory_space<vmem>>, vector<1x192xf32>
    %reduce_sum3A = arith.constant dense<0.000000e+00> : vector<512xf32>
    %reduce_sum3A_8 = vector.multi_reduction <add>, %get3A_1, %reduce_sum3A [1] : vector<512x192xf32> to vector<512xf32>
    %broadcast_in_dim3A = vector.shape_cast %reduce_sum3A_8 : vector<512xf32> to vector<512x1xf32>
    %div3A = arith.constant 1.920000e+02 : f32
    %div3A_9 = vector.broadcast %div3A : f32 to vector<512x1xf32>
    %div3A_10 = arith.divf %broadcast_in_dim3A, %div3A_9 : vector<512x1xf32>
    %sub3A = vector.broadcast %div3A_10 : vector<512x1xf32> to vector<512x192xf32>
    %sub3A_11 = arith.subf %get3A_1, %sub3A : vector<512x192xf32>
    %sub3A_12 = vector.broadcast %div3A_10 : vector<512x1xf32> to vector<512x192xf32>
    %sub3A_13 = arith.subf %get3A_1, %sub3A_12 : vector<512x192xf32>
    %mul3A = arith.mulf %sub3A_11, %sub3A_13 : vector<512x192xf32>
    %reduce_sum3A_14 = arith.constant dense<0.000000e+00> : vector<512xf32>
    %reduce_sum3A_15 = vector.multi_reduction <add>, %mul3A, %reduce_sum3A_14 [1] : vector<512x192xf32> to vector<512xf32>
    %broadcast_in_dim3A_16 = vector.shape_cast %reduce_sum3A_15 : vector<512xf32> to vector<512x1xf32>
    %div3A_17 = arith.constant 1.920000e+02 : f32
    %div3A_18 = vector.broadcast %div3A_17 : f32 to vector<512x1xf32>
    %div3A_19 = arith.divf %broadcast_in_dim3A_16, %div3A_18 : vector<512x1xf32>
    %sub3A_20 = vector.broadcast %div3A_10 : vector<512x1xf32> to vector<512x192xf32>
    %sub3A_21 = arith.subf %get3A_1, %sub3A_20 : vector<512x192xf32>
    %add3A = arith.constant 9.99999974E-6 : f32
    %add3A_22 = vector.broadcast %add3A : f32 to vector<512x1xf32>
    %add3A_23 = arith.addf %div3A_19, %add3A_22 : vector<512x1xf32>
    %rsqrt3A = math.rsqrt %add3A_23 : vector<512x1xf32>
    %mul3A_24 = vector.broadcast %rsqrt3A : vector<512x1xf32> to vector<512x192xf32>
    %mul3A_25 = arith.mulf %sub3A_21, %mul3A_24 : vector<512x192xf32>
    %mul3A_26 = vector.broadcast %get3A_4 : vector<1x192xf32> to vector<512x192xf32>
    %mul3A_27 = arith.mulf %mul3A_25, %mul3A_26 : vector<512x192xf32>
    %add3A_28 = vector.broadcast %get3A_7 : vector<1x192xf32> to vector<512x192xf32>
    %add3A_29 = arith.addf %mul3A_27, %add3A_28 : vector<512x192xf32>
    %broadcast_in_dim3A_30 = arith.constant 0.000000e+00 : f32
    %broadcast_in_dim3A_31 = vector.broadcast %broadcast_in_dim3A_30 : f32 to vector<512x64xf32>
    %concatenate3A = tpu.concatenate %add3A_29, %broadcast_in_dim3A_31 in 1 : vector<512x192xf32>, vector<512x64xf32> -> vector<512x256xf32>
    %swap3A = arith.constant 0 : index
    %swap3A_32 = arith.constant 0 : index
    %swap3A_33 = vector.load %arg4[%swap3A, %swap3A_32] : memref<512x256xf32, #tpu.memory_space<vmem>>, vector<512x256xf32>
    tpu.vector_store %arg4[%swap3A, %swap3A_32], %concatenate3A {strides = array<i32>} : memref<512x256xf32, #tpu.memory_space<vmem>>, vector<512x256xf32>,
    return
  }
  func.func @transform_0(%arg0: i32) -> (i32, i32) {
    %min3A = arith.constant 31 : i32
    %min3A_0 = arith.minsi %arg0, %min3A : i32
    %c0_i32 = arith.constant 0 : i32
    %c0_i32_1 = arith.constant 0 : i32
    return %min3A_0, %c0_i32 : i32, i32
  }
  func.func @transform_1(%arg0: i32) -> (i32, i32) {
    %c0_i32 = arith.constant 0 : i32
    %c0_i32_0 = arith.constant 0 : i32
    %c0_i32_1 = arith.constant 0 : i32
    return %c0_i32, %c0_i32_0 : i32, i32
  }
  func.func @transform_2(%arg0: i32) -> (i32, i32) {
    %c0_i32 = arith.constant 0 : i32
    %c0_i32_0 = arith.constant 0 : i32
    %c0_i32_1 = arith.constant 0 : i32
    return %c0_i32, %c0_i32_0 : i32, i32
  }
  func.func @transform_3(%arg0: i32) -> (i32, i32) {
    %c0_i32 = arith.constant 0 : i32
    %c0_i32_0 = arith.constant 0 : i32
    return %arg0, %c0_i32 : i32, i32
  }
}

module attributes {stable_mosaic.version = 14 : i64} {
  func.func @_qkv_body(%arg0: i32, %arg1: memref<512x256xf32, #tpu.memory_space<vmem>>, %arg2: memref<192x576xf32, #tpu.memory_space<vmem>>, %arg3: memref<512x576xf32, #tpu.memory_space<vmem>>) attributes {dimension_semantics = [#tpu.dimension_semantics<arbitrary>], iteration_bounds = array<i64: 16>, scalar_prefetch = 0 : i64, scratch_operands = 0 : i64, tpu.core_type = #tpu.core_type<tc>, window_params = [{transform_indices = @transform_0, window_bounds = array<i64: 512, 256>}, {pipeline_mode = #tpu.pipeline_mode<synchronous>, transform_indices = @transform_1, window_bounds = array<i64: 192, 576>}, {transform_indices = @transform_2, window_bounds = array<i64: 512, 576>}]} {
    %get3A = arith.constant 0 : index
    %get3A_0 = arith.constant 0 : index
    %get3A_1 = vector.load %arg1[%get3A, %get3A_0] : memref<512x256xf32, #tpu.memory_space<vmem>>, vector<512x192xf32>
    %get3A_2 = arith.constant 0 : index
    %get3A_3 = arith.constant 0 : index
    %get3A_4 = vector.load %arg2[%get3A_2, %get3A_3] : memref<192x576xf32, #tpu.memory_space<vmem>>, vector<192x576xf32>
    %dot_general3A = arith.constant dense<0.000000e+00> : vector<512x576xf32>
    %dot_general3A_5 = tpu.matmul %get3A_1, %get3A_4, %dot_general3A {dimension_numbers = #tpu.dot_dimension_numbers<[1], [0], [0], [1], [0, 0, 1, 1], [], []>, transpose_lhs_hint = false} : vector<512x192xf32>, vector<192x576xf32>, vector<512x576xf32> -> vector<512x576xf32>
    %swap3A = arith.constant 0 : index
    %swap3A_6 = arith.constant 0 : index
    %swap3A_7 = vector.load %arg3[%swap3A, %swap3A_6] : memref<512x576xf32, #tpu.memory_space<vmem>>, vector<512x576xf32>
    tpu.vector_store %arg3[%swap3A, %swap3A_6], %dot_general3A_5 {strides = array<i32>} : memref<512x576xf32, #tpu.memory_space<vmem>>, vector<512x576xf32>,
    return
  }
  func.func @transform_0(%arg0: i32) -> (i32, i32) {
    %c0_i32 = arith.constant 0 : i32
    %c0_i32_0 = arith.constant 0 : i32
    return %arg0, %c0_i32 : i32, i32
  }
  func.func @transform_1(%arg0: i32) -> (i32, i32) {
    %c0_i32 = arith.constant 0 : i32
    %c0_i32_0 = arith.constant 0 : i32
    %c0_i32_1 = arith.constant 0 : i32
    return %c0_i32, %c0_i32_0 : i32, i32
  }
  func.func @transform_2(%arg0: i32) -> (i32, i32) {
    %c0_i32 = arith.constant 0 : i32
    %c0_i32_0 = arith.constant 0 : i32
    return %arg0, %c0_i32 : i32, i32
  }
}

module attributes {stable_mosaic.version = 14 : i64} {
  func.func @_attn_body(%arg0: i32, %arg1: i32, %arg2: memref<256x576xf32, #tpu.memory_space<vmem>>, %arg3: memref<2048x576xf32, #tpu.memory_space<vmem>>, %arg4: memref<192x192xf32, #tpu.memory_space<vmem>>, %arg5: memref<8x192xf32, #tpu.memory_space<vmem>>, %arg6: memref<256x256xf32, #tpu.memory_space<vmem>>) attributes {dimension_semantics = [#tpu.dimension_semantics<arbitrary>, #tpu.dimension_semantics<arbitrary>], iteration_bounds = array<i64: 4, 8>, scalar_prefetch = 0 : i64, scratch_operands = 0 : i64, tpu.core_type = #tpu.core_type<tc>, window_params = [{transform_indices = @transform_0, window_bounds = array<i64: 256, 576>}, {transform_indices = @transform_1, window_bounds = array<i64: 2048, 576>}, {pipeline_mode = #tpu.pipeline_mode<synchronous>, transform_indices = @transform_2, window_bounds = array<i64: 192, 192>}, {pipeline_mode = #tpu.pipeline_mode<synchronous>, transform_indices = @transform_3, window_bounds = array<i64: 8, 192>}, {transform_indices = @transform_4, window_bounds = array<i64: 256, 256>}]} {
    %iota3A = tpu.iota {dimensions = array<i32: 1>} : vector<1x2048xi32>
    %ge3A = arith.constant 2000 : i32
    %ge3A_0 = vector.broadcast %ge3A : i32 to vector<1x2048xi32>
    %ge3A_1 = arith.cmpi sge, %iota3A, %ge3A_0 : vector<1x2048xi32>
    %jit3A = arith.constant -1.000000e+30 : f32
    %jit3A_2 = arith.constant 0.000000e+00 : f32
    %broadcast_in_dim3A = vector.broadcast %jit3A : f32 to vector<1x2048xf32>
    %broadcast_in_dim3A_3 = vector.broadcast %jit3A_2 : f32 to vector<1x2048xf32>
    %select_n3A = arith.select %ge3A_1, %broadcast_in_dim3A, %broadcast_in_dim3A_3 : vector<1x2048xi1>, vector<1x2048xf32>
    %get3A = arith.constant 0 : index
    %get3A_4 = arith.constant 0 : index
    %get3A_5 = vector.load %arg2[%get3A, %get3A_4] : memref<256x576xf32, #tpu.memory_space<vmem>>, vector<256x64xf32>
    %get3A_6 = arith.constant 0 : index
    %get3A_7 = arith.constant 192 : index
    %get3A_8 = vector.load %arg3[%get3A_6, %get3A_7] : memref<2048x576xf32, #tpu.memory_space<vmem>>, vector<2048x64xf32>
    %get3A_9 = arith.constant 0 : index
    %get3A_10 = arith.constant 384 : index
    %get3A_11 = vector.load %arg3[%get3A_9, %get3A_10] : memref<2048x576xf32, #tpu.memory_space<vmem>>, vector<2048x64xf32>
    %dot_general3A = arith.constant dense<0.000000e+00> : vector<256x2048xf32>
    %dot_general3A_12 = tpu.matmul %get3A_5, %get3A_8, %dot_general3A {dimension_numbers = #tpu.dot_dimension_numbers<[1], [1], [0], [0], [0, 0, 1, 0], [], []>, transpose_lhs_hint = false} : vector<256x64xf32>, vector<2048x64xf32>, vector<256x2048xf32> -> vector<256x2048xf32>
    %mul3A = arith.constant 1.250000e-01 : f32
    %mul3A_13 = vector.broadcast %mul3A : f32 to vector<256x2048xf32>
    %mul3A_14 = arith.mulf %dot_general3A_12, %mul3A_13 : vector<256x2048xf32>
    %add3A = vector.broadcast %select_n3A : vector<1x2048xf32> to vector<256x2048xf32>
    %add3A_15 = arith.addf %mul3A_14, %add3A : vector<256x2048xf32>
    %reduce_max3A = arith.constant dense<0xFF800000> : vector<256xf32>
    %reduce_max3A_16 = vector.multi_reduction <maximumf>, %add3A_15, %reduce_max3A [1] : vector<256x2048xf32> to vector<256xf32>
    %broadcast_in_dim3A_17 = vector.shape_cast %reduce_max3A_16 : vector<256xf32> to vector<256x1xf32>
    %sub3A = vector.broadcast %broadcast_in_dim3A_17 : vector<256x1xf32> to vector<256x2048xf32>
    %sub3A_18 = arith.subf %add3A_15, %sub3A : vector<256x2048xf32>
    %exp3A = math.exp %sub3A_18 : vector<256x2048xf32>
    %reduce_sum3A = arith.constant dense<0.000000e+00> : vector<256xf32>
    %reduce_sum3A_19 = vector.multi_reduction <add>, %exp3A, %reduce_sum3A [1] : vector<256x2048xf32> to vector<256xf32>
    %broadcast_in_dim3A_20 = vector.shape_cast %reduce_sum3A_19 : vector<256xf32> to vector<256x1xf32>
    %div3A = vector.broadcast %broadcast_in_dim3A_20 : vector<256x1xf32> to vector<256x2048xf32>
    %div3A_21 = arith.divf %exp3A, %div3A : vector<256x2048xf32>
    %dot_general3A_22 = arith.constant dense<0.000000e+00> : vector<256x64xf32>
    %dot_general3A_23 = tpu.matmul %div3A_21, %get3A_11, %dot_general3A_22 {dimension_numbers = #tpu.dot_dimension_numbers<[1], [0], [0], [1], [0, 0, 1, 1], [], []>, transpose_lhs_hint = false} : vector<256x2048xf32>, vector<2048x64xf32>, vector<256x64xf32> -> vector<256x64xf32>
    %get3A_24 = arith.constant 0 : index
    %get3A_25 = arith.constant 64 : index
    %get3A_26 = vector.load %arg2[%get3A_24, %get3A_25] : memref<256x576xf32, #tpu.memory_space<vmem>>, vector<256x64xf32>
    %get3A_27 = arith.constant 0 : index
    %get3A_28 = arith.constant 256 : index
    %get3A_29 = vector.load %arg3[%get3A_27, %get3A_28] : memref<2048x576xf32, #tpu.memory_space<vmem>>, vector<2048x64xf32>
    %get3A_30 = arith.constant 0 : index
    %get3A_31 = arith.constant 448 : index
    %get3A_32 = vector.load %arg3[%get3A_30, %get3A_31] : memref<2048x576xf32, #tpu.memory_space<vmem>>, vector<2048x64xf32>
    %dot_general3A_33 = arith.constant dense<0.000000e+00> : vector<256x2048xf32>
    %dot_general3A_34 = tpu.matmul %get3A_26, %get3A_29, %dot_general3A_33 {dimension_numbers = #tpu.dot_dimension_numbers<[1], [1], [0], [0], [0, 0, 1, 0], [], []>, transpose_lhs_hint = false} : vector<256x64xf32>, vector<2048x64xf32>, vector<256x2048xf32> -> vector<256x2048xf32>
    %mul3A_35 = arith.constant 1.250000e-01 : f32
    %mul3A_36 = vector.broadcast %mul3A_35 : f32 to vector<256x2048xf32>
    %mul3A_37 = arith.mulf %dot_general3A_34, %mul3A_36 : vector<256x2048xf32>
    %add3A_38 = vector.broadcast %select_n3A : vector<1x2048xf32> to vector<256x2048xf32>
    %add3A_39 = arith.addf %mul3A_37, %add3A_38 : vector<256x2048xf32>
    %reduce_max3A_40 = arith.constant dense<0xFF800000> : vector<256xf32>
    %reduce_max3A_41 = vector.multi_reduction <maximumf>, %add3A_39, %reduce_max3A_40 [1] : vector<256x2048xf32> to vector<256xf32>
    %broadcast_in_dim3A_42 = vector.shape_cast %reduce_max3A_41 : vector<256xf32> to vector<256x1xf32>
    %sub3A_43 = vector.broadcast %broadcast_in_dim3A_42 : vector<256x1xf32> to vector<256x2048xf32>
    %sub3A_44 = arith.subf %add3A_39, %sub3A_43 : vector<256x2048xf32>
    %exp3A_45 = math.exp %sub3A_44 : vector<256x2048xf32>
    %reduce_sum3A_46 = arith.constant dense<0.000000e+00> : vector<256xf32>
    %reduce_sum3A_47 = vector.multi_reduction <add>, %exp3A_45, %reduce_sum3A_46 [1] : vector<256x2048xf32> to vector<256xf32>
    %broadcast_in_dim3A_48 = vector.shape_cast %reduce_sum3A_47 : vector<256xf32> to vector<256x1xf32>
    %div3A_49 = vector.broadcast %broadcast_in_dim3A_48 : vector<256x1xf32> to vector<256x2048xf32>
    %div3A_50 = arith.divf %exp3A_45, %div3A_49 : vector<256x2048xf32>
    %dot_general3A_51 = arith.constant dense<0.000000e+00> : vector<256x64xf32>
    %dot_general3A_52 = tpu.matmul %div3A_50, %get3A_32, %dot_general3A_51 {dimension_numbers = #tpu.dot_dimension_numbers<[1], [0], [0], [1], [0, 0, 1, 1], [], []>, transpose_lhs_hint = false} : vector<256x2048xf32>, vector<2048x64xf32>, vector<256x64xf32> -> vector<256x64xf32>
    %get3A_53 = arith.constant 0 : index
    %get3A_54 = arith.constant 128 : index
    %get3A_55 = vector.load %arg2[%get3A_53, %get3A_54] : memref<256x576xf32, #tpu.memory_space<vmem>>, vector<256x64xf32>
    %get3A_56 = arith.constant 0 : index
    %get3A_57 = arith.constant 320 : index
    %get3A_58 = vector.load %arg3[%get3A_56, %get3A_57] : memref<2048x576xf32, #tpu.memory_space<vmem>>, vector<2048x64xf32>
    %get3A_59 = arith.constant 0 : index
    %get3A_60 = arith.constant 512 : index
    %get3A_61 = vector.load %arg3[%get3A_59, %get3A_60] : memref<2048x576xf32, #tpu.memory_space<vmem>>, vector<2048x64xf32>
    %dot_general3A_62 = arith.constant dense<0.000000e+00> : vector<256x2048xf32>
    %dot_general3A_63 = tpu.matmul %get3A_55, %get3A_58, %dot_general3A_62 {dimension_numbers = #tpu.dot_dimension_numbers<[1], [1], [0], [0], [0, 0, 1, 0], [], []>, transpose_lhs_hint = false} : vector<256x64xf32>, vector<2048x64xf32>, vector<256x2048xf32> -> vector<256x2048xf32>
    %mul3A_64 = arith.constant 1.250000e-01 : f32
    %mul3A_65 = vector.broadcast %mul3A_64 : f32 to vector<256x2048xf32>
    %mul3A_66 = arith.mulf %dot_general3A_63, %mul3A_65 : vector<256x2048xf32>
    %add3A_67 = vector.broadcast %select_n3A : vector<1x2048xf32> to vector<256x2048xf32>
    %add3A_68 = arith.addf %mul3A_66, %add3A_67 : vector<256x2048xf32>
    %reduce_max3A_69 = arith.constant dense<0xFF800000> : vector<256xf32>
    %reduce_max3A_70 = vector.multi_reduction <maximumf>, %add3A_68, %reduce_max3A_69 [1] : vector<256x2048xf32> to vector<256xf32>
    %broadcast_in_dim3A_71 = vector.shape_cast %reduce_max3A_70 : vector<256xf32> to vector<256x1xf32>
    %sub3A_72 = vector.broadcast %broadcast_in_dim3A_71 : vector<256x1xf32> to vector<256x2048xf32>
    %sub3A_73 = arith.subf %add3A_68, %sub3A_72 : vector<256x2048xf32>
    %exp3A_74 = math.exp %sub3A_73 : vector<256x2048xf32>
    %reduce_sum3A_75 = arith.constant dense<0.000000e+00> : vector<256xf32>
    %reduce_sum3A_76 = vector.multi_reduction <add>, %exp3A_74, %reduce_sum3A_75 [1] : vector<256x2048xf32> to vector<256xf32>
    %broadcast_in_dim3A_77 = vector.shape_cast %reduce_sum3A_76 : vector<256xf32> to vector<256x1xf32>
    %div3A_78 = vector.broadcast %broadcast_in_dim3A_77 : vector<256x1xf32> to vector<256x2048xf32>
    %div3A_79 = arith.divf %exp3A_74, %div3A_78 : vector<256x2048xf32>
    %dot_general3A_80 = arith.constant dense<0.000000e+00> : vector<256x64xf32>
    %dot_general3A_81 = tpu.matmul %div3A_79, %get3A_61, %dot_general3A_80 {dimension_numbers = #tpu.dot_dimension_numbers<[1], [0], [0], [1], [0, 0, 1, 1], [], []>, transpose_lhs_hint = false} : vector<256x2048xf32>, vector<2048x64xf32>, vector<256x64xf32> -> vector<256x64xf32>
    %concatenate3A = tpu.concatenate %dot_general3A_23, %dot_general3A_52, %dot_general3A_81 in 1 : vector<256x64xf32>, vector<256x64xf32>, vector<256x64xf32> -> vector<256x192xf32>
    %get3A_82 = arith.constant 0 : index
    %get3A_83 = arith.constant 0 : index
    %get3A_84 = vector.load %arg4[%get3A_82, %get3A_83] : memref<192x192xf32, #tpu.memory_space<vmem>>, vector<192x192xf32>
    %dot_general3A_85 = arith.constant dense<0.000000e+00> : vector<256x192xf32>
    %dot_general3A_86 = tpu.matmul %concatenate3A, %get3A_84, %dot_general3A_85 {dimension_numbers = #tpu.dot_dimension_numbers<[1], [0], [0], [1], [0, 0, 1, 1], [], []>, transpose_lhs_hint = false} : vector<256x192xf32>, vector<192x192xf32>, vector<256x192xf32> -> vector<256x192xf32>
    %get3A_87 = arith.constant 0 : index
    %get3A_88 = arith.constant 0 : index
    %get3A_89 = vector.load %arg5[%get3A_87, %get3A_88] : memref<8x192xf32, #tpu.memory_space<vmem>>, vector<1x192xf32>
    %add3A_90 = vector.broadcast %get3A_89 : vector<1x192xf32> to vector<256x192xf32>
    %add3A_91 = arith.addf %dot_general3A_86, %add3A_90 : vector<256x192xf32>
    %broadcast_in_dim3A_92 = arith.constant 0.000000e+00 : f32
    %broadcast_in_dim3A_93 = vector.broadcast %broadcast_in_dim3A_92 : f32 to vector<256x64xf32>
    %concatenate3A_94 = tpu.concatenate %add3A_91, %broadcast_in_dim3A_93 in 1 : vector<256x192xf32>, vector<256x64xf32> -> vector<256x256xf32>
    %swap3A = arith.constant 0 : index
    %swap3A_95 = arith.constant 0 : index
    %swap3A_96 = vector.load %arg6[%swap3A, %swap3A_95] : memref<256x256xf32, #tpu.memory_space<vmem>>, vector<256x256xf32>
    tpu.vector_store %arg6[%swap3A, %swap3A_95], %concatenate3A_94 {strides = array<i32>} : memref<256x256xf32, #tpu.memory_space<vmem>>, vector<256x256xf32>,
    return
  }
  func.func @transform_0(%arg0: i32, %arg1: i32) -> (i32, i32) {
    %mul3A = arith.constant 8 : i32
    %mul3A_0 = arith.muli %arg0, %mul3A : i32
    %add3A = arith.addi %mul3A_0, %arg1 : i32
    %c0_i32 = arith.constant 0 : i32
    %c0_i32_1 = arith.constant 0 : i32
    return %add3A, %c0_i32 : i32, i32
  }
  func.func @transform_1(%arg0: i32, %arg1: i32) -> (i32, i32) {
    %c0_i32 = arith.constant 0 : i32
    %c0_i32_0 = arith.constant 0 : i32
    return %arg0, %c0_i32 : i32, i32
  }
  func.func @transform_2(%arg0: i32, %arg1: i32) -> (i32, i32) {
    %c0_i32 = arith.constant 0 : i32
    %c0_i32_0 = arith.constant 0 : i32
    %c0_i32_1 = arith.constant 0 : i32
    return %c0_i32, %c0_i32_0 : i32, i32
  }
  func.func @transform_3(%arg0: i32, %arg1: i32) -> (i32, i32) {
    %c0_i32 = arith.constant 0 : i32
    %c0_i32_0 = arith.constant 0 : i32
    %c0_i32_1 = arith.constant 0 : i32
    return %c0_i32, %c0_i32_0 : i32, i32
  }
  func.func @transform_4(%arg0: i32, %arg1: i32) -> (i32, i32) {
    %mul3A = arith.constant 8 : i32
    %mul3A_0 = arith.muli %arg0, %mul3A : i32
    %add3A = arith.addi %mul3A_0, %arg1 : i32
    %c0_i32 = arith.constant 0 : i32
    %c0_i32_1 = arith.constant 0 : i32
    return %add3A, %c0_i32 : i32, i32
  }
}

module attributes {stable_mosaic.version = 14 : i64} {
  func.func @_mlp1_body(%arg0: i32, %arg1: memref<512x192xf32, #tpu.memory_space<vmem>>, %arg2: memref<512x256xf32, #tpu.memory_space<vmem>>, %arg3: memref<8x192xf32, #tpu.memory_space<vmem>>, %arg4: memref<8x192xf32, #tpu.memory_space<vmem>>, %arg5: memref<192x768xf32, #tpu.memory_space<vmem>>, %arg6: memref<8x768xf32, #tpu.memory_space<vmem>>, %arg7: memref<512x192xf32, #tpu.memory_space<vmem>>, %arg8: memref<512x768xf32, #tpu.memory_space<vmem>>) attributes {dimension_semantics = [#tpu.dimension_semantics<arbitrary>], iteration_bounds = array<i64: 32>, scalar_prefetch = 0 : i64, scratch_operands = 0 : i64, tpu.core_type = #tpu.core_type<tc>, window_params = [{transform_indices = @transform_0, window_bounds = array<i64: 512, 192>}, {transform_indices = @transform_1, window_bounds = array<i64: 512, 256>}, {pipeline_mode = #tpu.pipeline_mode<synchronous>, transform_indices = @transform_2, window_bounds = array<i64: 8, 192>}, {pipeline_mode = #tpu.pipeline_mode<synchronous>, transform_indices = @transform_3, window_bounds = array<i64: 8, 192>}, {pipeline_mode = #tpu.pipeline_mode<synchronous>, transform_indices = @transform_4, window_bounds = array<i64: 192, 768>}, {pipeline_mode = #tpu.pipeline_mode<synchronous>, transform_indices = @transform_5, window_bounds = array<i64: 8, 768>}, {transform_indices = @transform_6, window_bounds = array<i64: 512, 192>}, {transform_indices = @transform_7, window_bounds = array<i64: 512, 768>}]} {
    %get3A = arith.constant 0 : index
    %get3A_0 = arith.constant 0 : index
    %get3A_1 = vector.load %arg1[%get3A, %get3A_0] : memref<512x192xf32, #tpu.memory_space<vmem>>, vector<512x192xf32>
    %get3A_2 = arith.constant 0 : index
    %get3A_3 = arith.constant 0 : index
    %get3A_4 = vector.load %arg2[%get3A_2, %get3A_3] : memref<512x256xf32, #tpu.memory_space<vmem>>, vector<512x192xf32>
    %add3A = arith.addf %get3A_1, %get3A_4 : vector<512x192xf32>
    %reduce_sum3A = arith.constant dense<0.000000e+00> : vector<512xf32>
    %reduce_sum3A_5 = vector.multi_reduction <add>, %add3A, %reduce_sum3A [1] : vector<512x192xf32> to vector<512xf32>
    %broadcast_in_dim3A = vector.shape_cast %reduce_sum3A_5 : vector<512xf32> to vector<512x1xf32>
    %div3A = arith.constant 1.920000e+02 : f32
    %div3A_6 = vector.broadcast %div3A : f32 to vector<512x1xf32>
    %div3A_7 = arith.divf %broadcast_in_dim3A, %div3A_6 : vector<512x1xf32>
    %sub3A = vector.broadcast %div3A_7 : vector<512x1xf32> to vector<512x192xf32>
    %sub3A_8 = arith.subf %add3A, %sub3A : vector<512x192xf32>
    %sub3A_9 = vector.broadcast %div3A_7 : vector<512x1xf32> to vector<512x192xf32>
    %sub3A_10 = arith.subf %add3A, %sub3A_9 : vector<512x192xf32>
    %mul3A = arith.mulf %sub3A_8, %sub3A_10 : vector<512x192xf32>
    %reduce_sum3A_11 = arith.constant dense<0.000000e+00> : vector<512xf32>
    %reduce_sum3A_12 = vector.multi_reduction <add>, %mul3A, %reduce_sum3A_11 [1] : vector<512x192xf32> to vector<512xf32>
    %broadcast_in_dim3A_13 = vector.shape_cast %reduce_sum3A_12 : vector<512xf32> to vector<512x1xf32>
    %div3A_14 = arith.constant 1.920000e+02 : f32
    %div3A_15 = vector.broadcast %div3A_14 : f32 to vector<512x1xf32>
    %div3A_16 = arith.divf %broadcast_in_dim3A_13, %div3A_15 : vector<512x1xf32>
    %sub3A_17 = vector.broadcast %div3A_7 : vector<512x1xf32> to vector<512x192xf32>
    %sub3A_18 = arith.subf %add3A, %sub3A_17 : vector<512x192xf32>
    %add3A_19 = arith.constant 9.99999974E-6 : f32
    %add3A_20 = vector.broadcast %add3A_19 : f32 to vector<512x1xf32>
    %add3A_21 = arith.addf %div3A_16, %add3A_20 : vector<512x1xf32>
    %rsqrt3A = math.rsqrt %add3A_21 : vector<512x1xf32>
    %mul3A_22 = vector.broadcast %rsqrt3A : vector<512x1xf32> to vector<512x192xf32>
    %mul3A_23 = arith.mulf %sub3A_18, %mul3A_22 : vector<512x192xf32>
    %get3A_24 = arith.constant 0 : index
    %get3A_25 = arith.constant 0 : index
    %get3A_26 = vector.load %arg3[%get3A_24, %get3A_25] : memref<8x192xf32, #tpu.memory_space<vmem>>, vector<1x192xf32>
    %mul3A_27 = vector.broadcast %get3A_26 : vector<1x192xf32> to vector<512x192xf32>
    %mul3A_28 = arith.mulf %mul3A_23, %mul3A_27 : vector<512x192xf32>
    %get3A_29 = arith.constant 0 : index
    %get3A_30 = arith.constant 0 : index
    %get3A_31 = vector.load %arg4[%get3A_29, %get3A_30] : memref<8x192xf32, #tpu.memory_space<vmem>>, vector<1x192xf32>
    %add3A_32 = vector.broadcast %get3A_31 : vector<1x192xf32> to vector<512x192xf32>
    %add3A_33 = arith.addf %mul3A_28, %add3A_32 : vector<512x192xf32>
    %swap3A = arith.constant 0 : index
    %swap3A_34 = arith.constant 0 : index
    %swap3A_35 = vector.load %arg7[%swap3A, %swap3A_34] : memref<512x192xf32, #tpu.memory_space<vmem>>, vector<512x192xf32>
    tpu.vector_store %arg7[%swap3A, %swap3A_34], %add3A_33 {strides = array<i32>} : memref<512x192xf32, #tpu.memory_space<vmem>>, vector<512x192xf32>,
    %get3A_36 = arith.constant 0 : index
    %get3A_37 = arith.constant 0 : index
    %get3A_38 = vector.load %arg5[%get3A_36, %get3A_37] : memref<192x768xf32, #tpu.memory_space<vmem>>, vector<192x768xf32>
    %dot_general3A = arith.constant dense<0.000000e+00> : vector<512x768xf32>
    %dot_general3A_39 = tpu.matmul %add3A_33, %get3A_38, %dot_general3A {dimension_numbers = #tpu.dot_dimension_numbers<[1], [0], [0], [1], [0, 0, 1, 1], [], []>, transpose_lhs_hint = false} : vector<512x192xf32>, vector<192x768xf32>, vector<512x768xf32> -> vector<512x768xf32>
    %get3A_40 = arith.constant 0 : index
    %get3A_41 = arith.constant 0 : index
    %get3A_42 = vector.load %arg6[%get3A_40, %get3A_41] : memref<8x768xf32, #tpu.memory_space<vmem>>, vector<1x768xf32>
    %add3A_43 = vector.broadcast %get3A_42 : vector<1x768xf32> to vector<512x768xf32>
    %add3A_44 = arith.addf %dot_general3A_39, %add3A_43 : vector<512x768xf32>
    %swap3A_45 = arith.constant 0 : index
    %swap3A_46 = arith.constant 0 : index
    %swap3A_47 = vector.load %arg8[%swap3A_45, %swap3A_46] : memref<512x768xf32, #tpu.memory_space<vmem>>, vector<512x768xf32>
    tpu.vector_store %arg8[%swap3A_45, %swap3A_46], %add3A_44 {strides = array<i32>} : memref<512x768xf32, #tpu.memory_space<vmem>>, vector<512x768xf32>,
    return
  }
  func.func @transform_0(%arg0: i32) -> (i32, i32) {
    %c0_i32 = arith.constant 0 : i32
    %c0_i32_0 = arith.constant 0 : i32
    return %arg0, %c0_i32 : i32, i32
  }
  func.func @transform_1(%arg0: i32) -> (i32, i32) {
    %c0_i32 = arith.constant 0 : i32
    %c0_i32_0 = arith.constant 0 : i32
    return %arg0, %c0_i32 : i32, i32
  }
  func.func @transform_2(%arg0: i32) -> (i32, i32) {
    %c0_i32 = arith.constant 0 : i32
    %c0_i32_0 = arith.constant 0 : i32
    %c0_i32_1 = arith.constant 0 : i32
    return %c0_i32, %c0_i32_0 : i32, i32
  }
  func.func @transform_3(%arg0: i32) -> (i32, i32) {
    %c0_i32 = arith.constant 0 : i32
    %c0_i32_0 = arith.constant 0 : i32
    %c0_i32_1 = arith.constant 0 : i32
    return %c0_i32, %c0_i32_0 : i32, i32
  }
  func.func @transform_4(%arg0: i32) -> (i32, i32) {
    %c0_i32 = arith.constant 0 : i32
    %c0_i32_0 = arith.constant 0 : i32
    %c0_i32_1 = arith.constant 0 : i32
    return %c0_i32, %c0_i32_0 : i32, i32
  }
  func.func @transform_5(%arg0: i32) -> (i32, i32) {
    %c0_i32 = arith.constant 0 : i32
    %c0_i32_0 = arith.constant 0 : i32
    %c0_i32_1 = arith.constant 0 : i32
    return %c0_i32, %c0_i32_0 : i32, i32
  }
  func.func @transform_6(%arg0: i32) -> (i32, i32) {
    %c0_i32 = arith.constant 0 : i32
    %c0_i32_0 = arith.constant 0 : i32
    return %arg0, %c0_i32 : i32, i32
  }
  func.func @transform_7(%arg0: i32) -> (i32, i32) {
    %c0_i32 = arith.constant 0 : i32
    %c0_i32_0 = arith.constant 0 : i32
    return %arg0, %c0_i32 : i32, i32
  }
}

module attributes {stable_mosaic.version = 14 : i64} {
  func.func @_conv_body(%arg0: i32, %arg1: i32, %arg2: memref<1024x768xf32, #tpu.memory_space<vmem>>, %arg3: memref<64x768xf32, #tpu.memory_space<vmem>>, %arg4: memref<64x768xf32, #tpu.memory_space<vmem>>, %arg5: memref<16x768xf32, #tpu.memory_space<vmem>>, %arg6: memref<1024x192xf32, #tpu.memory_space<vmem>>, %arg7: memref<768x192xf32, #tpu.memory_space<vmem>>, %arg8: memref<8x192xf32, #tpu.memory_space<vmem>>, %arg9: memref<1024x192xf32, #tpu.memory_space<vmem>>) attributes {dimension_semantics = [#tpu.dimension_semantics<arbitrary>, #tpu.dimension_semantics<arbitrary>], iteration_bounds = array<i64: 4, 4>, scalar_prefetch = 0 : i64, scratch_operands = 0 : i64, tpu.core_type = #tpu.core_type<tc>, window_params = [{transform_indices = @transform_0, window_bounds = array<i64: 1024, 768>}, {transform_indices = @transform_1, window_bounds = array<i64: 64, 768>}, {transform_indices = @transform_2, window_bounds = array<i64: 64, 768>}, {pipeline_mode = #tpu.pipeline_mode<synchronous>, transform_indices = @transform_3, window_bounds = array<i64: 16, 768>}, {transform_indices = @transform_4, window_bounds = array<i64: 1024, 192>}, {pipeline_mode = #tpu.pipeline_mode<synchronous>, transform_indices = @transform_5, window_bounds = array<i64: 768, 192>}, {pipeline_mode = #tpu.pipeline_mode<synchronous>, transform_indices = @transform_6, window_bounds = array<i64: 8, 192>}, {transform_indices = @transform_7, window_bounds = array<i64: 1024, 192>}]} {
    %broadcast_in_dim3A = arith.constant 0.000000e+00 : f32
    %broadcast_in_dim3A_0 = vector.broadcast %broadcast_in_dim3A : f32 to vector<8x768xf32>
    %get3A = arith.constant 0 : index
    %get3A_1 = arith.constant 0 : index
    %get3A_2 = vector.load %arg3[%get3A, %get3A_1] : memref<64x768xf32, #tpu.memory_space<vmem>>, vector<64x768xf32>
    %get3A_3 = arith.constant 0 : index
    %get3A_4 = arith.constant 0 : index
    %get3A_5 = vector.load %arg2[%get3A_3, %get3A_4] : memref<1024x768xf32, #tpu.memory_space<vmem>>, vector<1024x768xf32>
    %get3A_6 = arith.constant 0 : index
    %get3A_7 = arith.constant 0 : index
    %get3A_8 = vector.load %arg4[%get3A_6, %get3A_7] : memref<64x768xf32, #tpu.memory_space<vmem>>, vector<64x768xf32>
    %concatenate3A = tpu.concatenate %broadcast_in_dim3A_0, %get3A_2, %get3A_5, %get3A_8, %broadcast_in_dim3A_0 in 0 : vector<8x768xf32>, vector<64x768xf32>, vector<1024x768xf32>, vector<64x768xf32>, vector<8x768xf32> -> vector<1168x768xf32>
    %iota3A = tpu.iota {dimensions = array<i32: 0>} : vector<1024x1xi32>
    %jit3A = arith.constant 64 : i32
    %eq3A = arith.constant 0 : i32
    %eq3A_9 = arith.cmpi eq, %jit3A, %eq3A : i32
    %jit3A_10 = arith.constant 1 : i32
    %select_n3A = arith.select %eq3A_9, %jit3A_10, %jit3A : i32
    %rem3A = vector.broadcast %select_n3A : i32 to vector<1024x1xi32>
    %rem3A_11 = arith.remsi %iota3A, %rem3A : vector<1024x1xi32>
    %ne3A = arith.constant 0 : i32
    %ne3A_12 = vector.broadcast %ne3A : i32 to vector<1024x1xi32>
    %ne3A_13 = arith.cmpi ne, %rem3A_11, %ne3A_12 : vector<1024x1xi32>
    %lt3A = arith.constant 0 : i32
    %lt3A_14 = vector.broadcast %lt3A : i32 to vector<1024x1xi32>
    %lt3A_15 = arith.cmpi slt, %rem3A_11, %lt3A_14 : vector<1024x1xi32>
    %lt3A_16 = arith.constant 0 : i32
    %lt3A_17 = arith.cmpi slt, %select_n3A, %lt3A_16 : i32
    %ne3A_18 = vector.broadcast %lt3A_17 : i1 to vector<1024x1xi1>
    %ne3A_19 = vector.broadcast %ne3A_18 : vector<1024x1xi1> to vector<1024x1xi1>
    %ne3A_20 = arith.xori %lt3A_15, %ne3A_19 : vector<1024x1xi1>
    %and3A = arith.andi %ne3A_20, %ne3A_13 : vector<1024x1xi1>
    %add3A = vector.broadcast %select_n3A : i32 to vector<1024x1xi32>
    %add3A_21 = arith.addi %rem3A_11, %add3A : vector<1024x1xi32>
    %select_n3A_22 = arith.select %and3A, %add3A_21, %rem3A_11 : vector<1024x1xi1>, vector<1024x1xi32>
    %mul3A = arith.constant 16 : i32
    %mul3A_23 = arith.muli %arg1, %mul3A : i32
    %iota3A_24 = tpu.iota {dimensions = array<i32: 0>} : vector<1024x1xi32>
    %jit3A_25 = arith.constant 64 : i32
    %div3A = vector.broadcast %jit3A_25 : i32 to vector<1024x1xi32>
    %div3A_26 = arith.divsi %iota3A_24, %div3A : vector<1024x1xi32>
    %sign3A = arith.constant 0 : i32
    %sign3A_27 = vector.broadcast %sign3A : i32 to vector<1024x1xi32>
    %sign3A_28 = arith.cmpi sgt, %iota3A_24, %sign3A_27 : vector<1024x1xi32>
    %sign3A_29 = arith.extui %sign3A_28 : vector<1024x1xi1> to vector<1024x1xi32>
    %sign3A_30 = arith.constant 0 : i32
    %sign3A_31 = vector.broadcast %sign3A_30 : i32 to vector<1024x1xi32>
    %sign3A_32 = arith.cmpi slt, %iota3A_24, %sign3A_31 : vector<1024x1xi32>
    %sign3A_33 = arith.extui %sign3A_32 : vector<1024x1xi1> to vector<1024x1xi32>
    %sign3A_34 = arith.subi %sign3A_29, %sign3A_33 : vector<1024x1xi32>
    %sign3A_35 = arith.constant 0 : i32
    %sign3A_36 = arith.cmpi sgt, %jit3A_25, %sign3A_35 : i32
    %sign3A_37 = arith.extui %sign3A_36 : i1 to i32
    %sign3A_38 = arith.constant 0 : i32
    %sign3A_39 = arith.cmpi slt, %jit3A_25, %sign3A_38 : i32
    %sign3A_40 = arith.extui %sign3A_39 : i1 to i32
    %sign3A_41 = arith.subi %sign3A_37, %sign3A_40 : i32
    %ne3A_42 = vector.broadcast %sign3A_41 : i32 to vector<1024x1xi32>
    %ne3A_43 = arith.cmpi ne, %sign3A_34, %ne3A_42 : vector<1024x1xi32>
    %rem3A_44 = vector.broadcast %jit3A_25 : i32 to vector<1024x1xi32>
    %rem3A_45 = arith.remsi %iota3A_24, %rem3A_44 : vector<1024x1xi32>
    %ne3A_46 = arith.constant 0 : i32
    %ne3A_47 = vector.broadcast %ne3A_46 : i32 to vector<1024x1xi32>
    %ne3A_48 = arith.cmpi ne, %rem3A_45, %ne3A_47 : vector<1024x1xi32>
    %and3A_49 = arith.andi %ne3A_43, %ne3A_48 : vector<1024x1xi1>
    %sub3A = arith.constant 1 : i32
    %sub3A_50 = vector.broadcast %sub3A : i32 to vector<1024x1xi32>
    %sub3A_51 = arith.subi %div3A_26, %sub3A_50 : vector<1024x1xi32>
    %select_n3A_52 = arith.select %and3A_49, %sub3A_51, %div3A_26 : vector<1024x1xi1>, vector<1024x1xi32>
    %add3A_53 = vector.broadcast %mul3A_23 : i32 to vector<1024x1xi32>
    %add3A_54 = arith.addi %add3A_53, %select_n3A_52 : vector<1024x1xi32>
    %broadcast_in_dim3A_55 = arith.constant 0.000000e+00 : f32
    %broadcast_in_dim3A_56 = vector.broadcast %broadcast_in_dim3A_55 : f32 to vector<1024x768xf32>
    %slice3A = vector.extract_strided_slice %concatenate3A {offsets = [7, 0], sizes = [1024, 768], strides = [1, 1]} : vector<1168x768xf32> to vector<1024x768xf32>
    %broadcast_in_dim3A_57 = arith.constant true
    %broadcast_in_dim3A_58 = vector.broadcast %broadcast_in_dim3A_57 : i1 to vector<1024x1xi1>
    %gt3A = arith.constant 0 : i32
    %gt3A_59 = vector.broadcast %gt3A : i32 to vector<1024x1xi32>
    %gt3A_60 = arith.cmpi sgt, %select_n3A_22, %gt3A_59 : vector<1024x1xi32>
    %and3A_61 = arith.andi %broadcast_in_dim3A_58, %gt3A_60 : vector<1024x1xi1>
    %gt3A_62 = arith.constant 0 : i32
    %gt3A_63 = vector.broadcast %gt3A_62 : i32 to vector<1024x1xi32>
    %gt3A_64 = arith.cmpi sgt, %add3A_54, %gt3A_63 : vector<1024x1xi32>
    %and3A_65 = arith.andi %and3A_61, %gt3A_64 : vector<1024x1xi1>
    %get3A_66 = arith.constant 0 : index
    %get3A_67 = arith.constant 0 : index
    %get3A_68 = vector.load %arg5[%get3A_66, %get3A_67] : memref<16x768xf32, #tpu.memory_space<vmem>>, vector<1x768xf32>
    %mul3A_69 = vector.broadcast %get3A_68 : vector<1x768xf32> to vector<1024x768xf32>
    %mul3A_70 = arith.mulf %slice3A, %mul3A_69 : vector<1024x768xf32>
    %convert_element_type3A = arith.extui %and3A_65 : vector<1024x1xi1> to vector<1024x1xi32>
    %convert_element_type3A_71 = arith.sitofp %convert_element_type3A : vector<1024x1xi32> to vector<1024x1xf32>
    %mul3A_72 = vector.broadcast %convert_element_type3A_71 : vector<1024x1xf32> to vector<1024x768xf32>
    %mul3A_73 = arith.mulf %mul3A_70, %mul3A_72 : vector<1024x768xf32>
    %add3A_74 = arith.addf %broadcast_in_dim3A_56, %mul3A_73 : vector<1024x768xf32>
    %slice3A_75 = vector.extract_strided_slice %concatenate3A {offsets = [8, 0], sizes = [1024, 768], strides = [1, 1]} : vector<1168x768xf32> to vector<1024x768xf32>
    %broadcast_in_dim3A_76 = arith.constant true
    %broadcast_in_dim3A_77 = vector.broadcast %broadcast_in_dim3A_76 : i1 to vector<1024x1xi1>
    %gt3A_78 = arith.constant 0 : i32
    %gt3A_79 = vector.broadcast %gt3A_78 : i32 to vector<1024x1xi32>
    %gt3A_80 = arith.cmpi sgt, %add3A_54, %gt3A_79 : vector<1024x1xi32>
    %and3A_81 = arith.andi %broadcast_in_dim3A_77, %gt3A_80 : vector<1024x1xi1>
    %get3A_82 = arith.constant 1 : index
    %get3A_83 = arith.constant 0 : index
    %get3A_84 = vector.load %arg5[%get3A_82, %get3A_83] : memref<16x768xf32, #tpu.memory_space<vmem>>, vector<1x768xf32>
    %mul3A_85 = vector.broadcast %get3A_84 : vector<1x768xf32> to vector<1024x768xf32>
    %mul3A_86 = arith.mulf %slice3A_75, %mul3A_85 : vector<1024x768xf32>
    %convert_element_type3A_87 = arith.extui %and3A_81 : vector<1024x1xi1> to vector<1024x1xi32>
    %convert_element_type3A_88 = arith.sitofp %convert_element_type3A_87 : vector<1024x1xi32> to vector<1024x1xf32>
    %mul3A_89 = vector.broadcast %convert_element_type3A_88 : vector<1024x1xf32> to vector<1024x768xf32>
    %mul3A_90 = arith.mulf %mul3A_86, %mul3A_89 : vector<1024x768xf32>
    %add3A_91 = arith.addf %add3A_74, %mul3A_90 : vector<1024x768xf32>
    %slice3A_92 = vector.extract_strided_slice %concatenate3A {offsets = [9, 0], sizes = [1024, 768], strides = [1, 1]} : vector<1168x768xf32> to vector<1024x768xf32>
    %broadcast_in_dim3A_93 = arith.constant true
    %broadcast_in_dim3A_94 = vector.broadcast %broadcast_in_dim3A_93 : i1 to vector<1024x1xi1>
    %lt3A_95 = arith.constant 63 : i32
    %lt3A_96 = vector.broadcast %lt3A_95 : i32 to vector<1024x1xi32>
    %lt3A_97 = arith.cmpi slt, %select_n3A_22, %lt3A_96 : vector<1024x1xi32>
    %and3A_98 = arith.andi %broadcast_in_dim3A_94, %lt3A_97 : vector<1024x1xi1>
    %gt3A_99 = arith.constant 0 : i32
    %gt3A_100 = vector.broadcast %gt3A_99 : i32 to vector<1024x1xi32>
    %gt3A_101 = arith.cmpi sgt, %add3A_54, %gt3A_100 : vector<1024x1xi32>
    %and3A_102 = arith.andi %and3A_98, %gt3A_101 : vector<1024x1xi1>
    %get3A_103 = arith.constant 2 : index
    %get3A_104 = arith.constant 0 : index
    %get3A_105 = vector.load %arg5[%get3A_103, %get3A_104] : memref<16x768xf32, #tpu.memory_space<vmem>>, vector<1x768xf32>
    %mul3A_106 = vector.broadcast %get3A_105 : vector<1x768xf32> to vector<1024x768xf32>
    %mul3A_107 = arith.mulf %slice3A_92, %mul3A_106 : vector<1024x768xf32>
    %convert_element_type3A_108 = arith.extui %and3A_102 : vector<1024x1xi1> to vector<1024x1xi32>
    %convert_element_type3A_109 = arith.sitofp %convert_element_type3A_108 : vector<1024x1xi32> to vector<1024x1xf32>
    %mul3A_110 = vector.broadcast %convert_element_type3A_109 : vector<1024x1xf32> to vector<1024x768xf32>
    %mul3A_111 = arith.mulf %mul3A_107, %mul3A_110 : vector<1024x768xf32>
    %add3A_112 = arith.addf %add3A_91, %mul3A_111 : vector<1024x768xf32>
    %slice3A_113 = vector.extract_strided_slice %concatenate3A {offsets = [71, 0], sizes = [1024, 768], strides = [1, 1]} : vector<1168x768xf32> to vector<1024x768xf32>
    %broadcast_in_dim3A_114 = arith.constant true
    %broadcast_in_dim3A_115 = vector.broadcast %broadcast_in_dim3A_114 : i1 to vector<1024x1xi1>
    %gt3A_116 = arith.constant 0 : i32
    %gt3A_117 = vector.broadcast %gt3A_116 : i32 to vector<1024x1xi32>
    %gt3A_118 = arith.cmpi sgt, %select_n3A_22, %gt3A_117 : vector<1024x1xi32>
    %and3A_119 = arith.andi %broadcast_in_dim3A_115, %gt3A_118 : vector<1024x1xi1>
    %get3A_120 = arith.constant 3 : index
    %get3A_121 = arith.constant 0 : index
    %get3A_122 = vector.load %arg5[%get3A_120, %get3A_121] : memref<16x768xf32, #tpu.memory_space<vmem>>, vector<1x768xf32>
    %mul3A_123 = vector.broadcast %get3A_122 : vector<1x768xf32> to vector<1024x768xf32>
    %mul3A_124 = arith.mulf %slice3A_113, %mul3A_123 : vector<1024x768xf32>
    %convert_element_type3A_125 = arith.extui %and3A_119 : vector<1024x1xi1> to vector<1024x1xi32>
    %convert_element_type3A_126 = arith.sitofp %convert_element_type3A_125 : vector<1024x1xi32> to vector<1024x1xf32>
    %mul3A_127 = vector.broadcast %convert_element_type3A_126 : vector<1024x1xf32> to vector<1024x768xf32>
    %mul3A_128 = arith.mulf %mul3A_124, %mul3A_127 : vector<1024x768xf32>
    %add3A_129 = arith.addf %add3A_112, %mul3A_128 : vector<1024x768xf32>
    %slice3A_130 = vector.extract_strided_slice %concatenate3A {offsets = [72, 0], sizes = [1024, 768], strides = [1, 1]} : vector<1168x768xf32> to vector<1024x768xf32>
    %broadcast_in_dim3A_131 = arith.constant true
    %broadcast_in_dim3A_132 = vector.broadcast %broadcast_in_dim3A_131 : i1 to vector<1024x1xi1>
    %get3A_133 = arith.constant 4 : index
    %get3A_134 = arith.constant 0 : index
    %get3A_135 = vector.load %arg5[%get3A_133, %get3A_134] : memref<16x768xf32, #tpu.memory_space<vmem>>, vector<1x768xf32>
    %mul3A_136 = vector.broadcast %get3A_135 : vector<1x768xf32> to vector<1024x768xf32>
    %mul3A_137 = arith.mulf %slice3A_130, %mul3A_136 : vector<1024x768xf32>
    %convert_element_type3A_138 = arith.extui %broadcast_in_dim3A_132 : vector<1024x1xi1> to vector<1024x1xi32>
    %convert_element_type3A_139 = arith.sitofp %convert_element_type3A_138 : vector<1024x1xi32> to vector<1024x1xf32>
    %mul3A_140 = vector.broadcast %convert_element_type3A_139 : vector<1024x1xf32> to vector<1024x768xf32>
    %mul3A_141 = arith.mulf %mul3A_137, %mul3A_140 : vector<1024x768xf32>
    %add3A_142 = arith.addf %add3A_129, %mul3A_141 : vector<1024x768xf32>
    %slice3A_143 = vector.extract_strided_slice %concatenate3A {offsets = [73, 0], sizes = [1024, 768], strides = [1, 1]} : vector<1168x768xf32> to vector<1024x768xf32>
    %broadcast_in_dim3A_144 = arith.constant true
    %broadcast_in_dim3A_145 = vector.broadcast %broadcast_in_dim3A_144 : i1 to vector<1024x1xi1>
    %lt3A_146 = arith.constant 63 : i32
    %lt3A_147 = vector.broadcast %lt3A_146 : i32 to vector<1024x1xi32>
    %lt3A_148 = arith.cmpi slt, %select_n3A_22, %lt3A_147 : vector<1024x1xi32>
    %and3A_149 = arith.andi %broadcast_in_dim3A_145, %lt3A_148 : vector<1024x1xi1>
    %get3A_150 = arith.constant 5 : index
    %get3A_151 = arith.constant 0 : index
    %get3A_152 = vector.load %arg5[%get3A_150, %get3A_151] : memref<16x768xf32, #tpu.memory_space<vmem>>, vector<1x768xf32>
    %mul3A_153 = vector.broadcast %get3A_152 : vector<1x768xf32> to vector<1024x768xf32>
    %mul3A_154 = arith.mulf %slice3A_143, %mul3A_153 : vector<1024x768xf32>
    %convert_element_type3A_155 = arith.extui %and3A_149 : vector<1024x1xi1> to vector<1024x1xi32>
    %convert_element_type3A_156 = arith.sitofp %convert_element_type3A_155 : vector<1024x1xi32> to vector<1024x1xf32>
    %mul3A_157 = vector.broadcast %convert_element_type3A_156 : vector<1024x1xf32> to vector<1024x768xf32>
    %mul3A_158 = arith.mulf %mul3A_154, %mul3A_157 : vector<1024x768xf32>
    %add3A_159 = arith.addf %add3A_142, %mul3A_158 : vector<1024x768xf32>
    %slice3A_160 = vector.extract_strided_slice %concatenate3A {offsets = [135, 0], sizes = [1024, 768], strides = [1, 1]} : vector<1168x768xf32> to vector<1024x768xf32>
    %broadcast_in_dim3A_161 = arith.constant true
    %broadcast_in_dim3A_162 = vector.broadcast %broadcast_in_dim3A_161 : i1 to vector<1024x1xi1>
    %gt3A_163 = arith.constant 0 : i32
    %gt3A_164 = vector.broadcast %gt3A_163 : i32 to vector<1024x1xi32>
    %gt3A_165 = arith.cmpi sgt, %select_n3A_22, %gt3A_164 : vector<1024x1xi32>
    %and3A_166 = arith.andi %broadcast_in_dim3A_162, %gt3A_165 : vector<1024x1xi1>
    %lt3A_167 = arith.constant 63 : i32
    %lt3A_168 = vector.broadcast %lt3A_167 : i32 to vector<1024x1xi32>
    %lt3A_169 = arith.cmpi slt, %add3A_54, %lt3A_168 : vector<1024x1xi32>
    %and3A_170 = arith.andi %and3A_166, %lt3A_169 : vector<1024x1xi1>
    %get3A_171 = arith.constant 6 : index
    %get3A_172 = arith.constant 0 : index
    %get3A_173 = vector.load %arg5[%get3A_171, %get3A_172] : memref<16x768xf32, #tpu.memory_space<vmem>>, vector<1x768xf32>
    %mul3A_174 = vector.broadcast %get3A_173 : vector<1x768xf32> to vector<1024x768xf32>
    %mul3A_175 = arith.mulf %slice3A_160, %mul3A_174 : vector<1024x768xf32>
    %convert_element_type3A_176 = arith.extui %and3A_170 : vector<1024x1xi1> to vector<1024x1xi32>
    %convert_element_type3A_177 = arith.sitofp %convert_element_type3A_176 : vector<1024x1xi32> to vector<1024x1xf32>
    %mul3A_178 = vector.broadcast %convert_element_type3A_177 : vector<1024x1xf32> to vector<1024x768xf32>
    %mul3A_179 = arith.mulf %mul3A_175, %mul3A_178 : vector<1024x768xf32>
    %add3A_180 = arith.addf %add3A_159, %mul3A_179 : vector<1024x768xf32>
    %slice3A_181 = vector.extract_strided_slice %concatenate3A {offsets = [136, 0], sizes = [1024, 768], strides = [1, 1]} : vector<1168x768xf32> to vector<1024x768xf32>
    %broadcast_in_dim3A_182 = arith.constant true
    %broadcast_in_dim3A_183 = vector.broadcast %broadcast_in_dim3A_182 : i1 to vector<1024x1xi1>
    %lt3A_184 = arith.constant 63 : i32
    %lt3A_185 = vector.broadcast %lt3A_184 : i32 to vector<1024x1xi32>
    %lt3A_186 = arith.cmpi slt, %add3A_54, %lt3A_185 : vector<1024x1xi32>
    %and3A_187 = arith.andi %broadcast_in_dim3A_183, %lt3A_186 : vector<1024x1xi1>
    %get3A_188 = arith.constant 7 : index
    %get3A_189 = arith.constant 0 : index
    %get3A_190 = vector.load %arg5[%get3A_188, %get3A_189] : memref<16x768xf32, #tpu.memory_space<vmem>>, vector<1x768xf32>
    %mul3A_191 = vector.broadcast %get3A_190 : vector<1x768xf32> to vector<1024x768xf32>
    %mul3A_192 = arith.mulf %slice3A_181, %mul3A_191 : vector<1024x768xf32>
    %convert_element_type3A_193 = arith.extui %and3A_187 : vector<1024x1xi1> to vector<1024x1xi32>
    %convert_element_type3A_194 = arith.sitofp %convert_element_type3A_193 : vector<1024x1xi32> to vector<1024x1xf32>
    %mul3A_195 = vector.broadcast %convert_element_type3A_194 : vector<1024x1xf32> to vector<1024x768xf32>
    %mul3A_196 = arith.mulf %mul3A_192, %mul3A_195 : vector<1024x768xf32>
    %add3A_197 = arith.addf %add3A_180, %mul3A_196 : vector<1024x768xf32>
    %slice3A_198 = vector.extract_strided_slice %concatenate3A {offsets = [137, 0], sizes = [1024, 768], strides = [1, 1]} : vector<1168x768xf32> to vector<1024x768xf32>
    %broadcast_in_dim3A_199 = arith.constant true
    %broadcast_in_dim3A_200 = vector.broadcast %broadcast_in_dim3A_199 : i1 to vector<1024x1xi1>
    %lt3A_201 = arith.constant 63 : i32
    %lt3A_202 = vector.broadcast %lt3A_201 : i32 to vector<1024x1xi32>
    %lt3A_203 = arith.cmpi slt, %select_n3A_22, %lt3A_202 : vector<1024x1xi32>
    %and3A_204 = arith.andi %broadcast_in_dim3A_200, %lt3A_203 : vector<1024x1xi1>
    %lt3A_205 = arith.constant 63 : i32
    %lt3A_206 = vector.broadcast %lt3A_205 : i32 to vector<1024x1xi32>
    %lt3A_207 = arith.cmpi slt, %add3A_54, %lt3A_206 : vector<1024x1xi32>
    %and3A_208 = arith.andi %and3A_204, %lt3A_207 : vector<1024x1xi1>
    %get3A_209 = arith.constant 8 : index
    %get3A_210 = arith.constant 0 : index
    %get3A_211 = vector.load %arg5[%get3A_209, %get3A_210] : memref<16x768xf32, #tpu.memory_space<vmem>>, vector<1x768xf32>
    %mul3A_212 = vector.broadcast %get3A_211 : vector<1x768xf32> to vector<1024x768xf32>
    %mul3A_213 = arith.mulf %slice3A_198, %mul3A_212 : vector<1024x768xf32>
    %convert_element_type3A_214 = arith.extui %and3A_208 : vector<1024x1xi1> to vector<1024x1xi32>
    %convert_element_type3A_215 = arith.sitofp %convert_element_type3A_214 : vector<1024x1xi32> to vector<1024x1xf32>
    %mul3A_216 = vector.broadcast %convert_element_type3A_215 : vector<1024x1xf32> to vector<1024x768xf32>
    %mul3A_217 = arith.mulf %mul3A_213, %mul3A_216 : vector<1024x768xf32>
    %add3A_218 = arith.addf %add3A_197, %mul3A_217 : vector<1024x768xf32>
    %mul3A_219 = arith.constant 0.707106769 : f32
    %mul3A_220 = vector.broadcast %mul3A_219 : f32 to vector<1024x768xf32>
    %mul3A_221 = arith.mulf %add3A_218, %mul3A_220 : vector<1024x768xf32>
    %sign3A_222 = tpu.bitcast %mul3A_221 : vector<1024x768xf32> -> vector<1024x768xi32>
    %sign3A_223 = arith.constant -2147483648 : i32
    %sign3A_224 = vector.broadcast %sign3A_223 : i32 to vector<1024x768xi32>
    %sign3A_225 = arith.andi %sign3A_222, %sign3A_224 : vector<1024x768xi32>
    %sign3A_226 = arith.constant 1065353216 : i32
    %sign3A_227 = vector.broadcast %sign3A_226 : i32 to vector<1024x768xi32>
    %sign3A_228 = arith.ori %sign3A_227, %sign3A_225 : vector<1024x768xi32>
    %sign3A_229 = tpu.bitcast %sign3A_228 : vector<1024x768xi32> -> vector<1024x768xf32>
    %sign3A_230 = math.absf %mul3A_221 : vector<1024x768xf32>
    %sign3A_231 = arith.constant 0.000000e+00 : f32
    %sign3A_232 = vector.broadcast %sign3A_231 : f32 to vector<1024x768xf32>
    %sign3A_233 = arith.cmpf ogt, %sign3A_230, %sign3A_232 : vector<1024x768xf32>
    %sign3A_234 = arith.select %sign3A_233, %sign3A_229, %mul3A_221 : vector<1024x768xi1>, vector<1024x768xf32>
    %abs3A = math.absf %mul3A_221 : vector<1024x768xf32>
    %mul3A_235 = arith.constant 0.327591091 : f32
    %mul3A_236 = vector.broadcast %mul3A_235 : f32 to vector<1024x768xf32>
    %mul3A_237 = arith.mulf %mul3A_236, %abs3A : vector<1024x768xf32>
    %add3A_238 = arith.constant 1.000000e+00 : f32
    %add3A_239 = vector.broadcast %add3A_238 : f32 to vector<1024x768xf32>
    %add3A_240 = arith.addf %add3A_239, %mul3A_237 : vector<1024x768xf32>
    %div3A_241 = arith.constant 1.000000e+00 : f32
    %div3A_242 = vector.broadcast %div3A_241 : f32 to vector<1024x768xf32>
    %div3A_243 = arith.divf %div3A_242, %add3A_240 : vector<1024x768xf32>
    %mul3A_244 = arith.constant 1.06140542 : f32
    %mul3A_245 = vector.broadcast %mul3A_244 : f32 to vector<1024x768xf32>
    %mul3A_246 = arith.mulf %mul3A_245, %div3A_243 : vector<1024x768xf32>
    %add3A_247 = arith.constant -1.45315206 : f32
    %add3A_248 = vector.broadcast %add3A_247 : f32 to vector<1024x768xf32>
    %add3A_249 = arith.addf %mul3A_246, %add3A_248 : vector<1024x768xf32>
    %mul3A_250 = arith.mulf %add3A_249, %div3A_243 : vector<1024x768xf32>
    %add3A_251 = arith.constant 1.42141378 : f32
    %add3A_252 = vector.broadcast %add3A_251 : f32 to vector<1024x768xf32>
    %add3A_253 = arith.addf %mul3A_250, %add3A_252 : vector<1024x768xf32>
    %mul3A_254 = arith.mulf %add3A_253, %div3A_243 : vector<1024x768xf32>
    %add3A_255 = arith.constant -0.284496725 : f32
    %add3A_256 = vector.broadcast %add3A_255 : f32 to vector<1024x768xf32>
    %add3A_257 = arith.addf %mul3A_254, %add3A_256 : vector<1024x768xf32>
    %mul3A_258 = arith.mulf %add3A_257, %div3A_243 : vector<1024x768xf32>
    %add3A_259 = arith.constant 0.254829586 : f32
    %add3A_260 = vector.broadcast %add3A_259 : f32 to vector<1024x768xf32>
    %add3A_261 = arith.addf %mul3A_258, %add3A_260 : vector<1024x768xf32>
    %mul3A_262 = arith.mulf %add3A_261, %div3A_243 : vector<1024x768xf32>
    %neg3A = arith.constant 0.000000e+00 : f32
    %neg3A_263 = vector.broadcast %neg3A : f32 to vector<1024x768xf32>
    %neg3A_264 = arith.subf %neg3A_263, %abs3A : vector<1024x768xf32>
    %mul3A_265 = arith.mulf %neg3A_264, %abs3A : vector<1024x768xf32>
    %exp3A = math.exp %mul3A_265 : vector<1024x768xf32>
    %mul3A_266 = arith.mulf %mul3A_262, %exp3A : vector<1024x768xf32>
    %sub3A_267 = arith.constant 1.000000e+00 : f32
    %sub3A_268 = vector.broadcast %sub3A_267 : f32 to vector<1024x768xf32>
    %sub3A_269 = arith.subf %sub3A_268, %mul3A_266 : vector<1024x768xf32>
    %mul3A_270 = arith.mulf %sign3A_234, %sub3A_269 : vector<1024x768xf32>
    %mul3A_271 = arith.constant 5.000000e-01 : f32
    %mul3A_272 = vector.broadcast %mul3A_271 : f32 to vector<1024x768xf32>
    %mul3A_273 = arith.mulf %mul3A_272, %add3A_218 : vector<1024x768xf32>
    %add3A_274 = arith.constant 1.000000e+00 : f32
    %add3A_275 = vector.broadcast %add3A_274 : f32 to vector<1024x768xf32>
    %add3A_276 = arith.addf %add3A_275, %mul3A_270 : vector<1024x768xf32>
    %mul3A_277 = arith.mulf %mul3A_273, %add3A_276 : vector<1024x768xf32>
    %get3A_278 = arith.constant 0 : index
    %get3A_279 = arith.constant 0 : index
    %get3A_280 = vector.load %arg6[%get3A_278, %get3A_279] : memref<1024x192xf32, #tpu.memory_space<vmem>>, vector<1024x192xf32>
    %get3A_281 = arith.constant 0 : index
    %get3A_282 = arith.constant 0 : index
    %get3A_283 = vector.load %arg7[%get3A_281, %get3A_282] : memref<768x192xf32, #tpu.memory_space<vmem>>, vector<768x192xf32>
    %dot_general3A = arith.constant dense<0.000000e+00> : vector<1024x192xf32>
    %dot_general3A_284 = tpu.matmul %mul3A_277, %get3A_283, %dot_general3A {dimension_numbers = #tpu.dot_dimension_numbers<[1], [0], [0], [1], [0, 0, 1, 1], [], []>, transpose_lhs_hint = false} : vector<1024x768xf32>, vector<768x192xf32>, vector<1024x192xf32> -> vector<1024x192xf32>
    %add3A_285 = arith.addf %get3A_280, %dot_general3A_284 : vector<1024x192xf32>
    %get3A_286 = arith.constant 0 : index
    %get3A_287 = arith.constant 0 : index
    %get3A_288 = vector.load %arg8[%get3A_286, %get3A_287] : memref<8x192xf32, #tpu.memory_space<vmem>>, vector<1x192xf32>
    %add3A_289 = vector.broadcast %get3A_288 : vector<1x192xf32> to vector<1024x192xf32>
    %add3A_290 = arith.addf %add3A_285, %add3A_289 : vector<1024x192xf32>
    %swap3A = arith.constant 0 : index
    %swap3A_291 = arith.constant 0 : index
    %swap3A_292 = vector.load %arg9[%swap3A, %swap3A_291] : memref<1024x192xf32, #tpu.memory_space<vmem>>, vector<1024x192xf32>
    tpu.vector_store %arg9[%swap3A, %swap3A_291], %add3A_290 {strides = array<i32>} : memref<1024x192xf32, #tpu.memory_space<vmem>>, vector<1024x192xf32>,
    return
  }
  func.func @transform_0(%arg0: i32, %arg1: i32) -> (i32, i32) {
    %mul3A = arith.constant 4 : i32
    %mul3A_0 = arith.muli %arg0, %mul3A : i32
    %add3A = arith.addi %mul3A_0, %arg1 : i32
    %c0_i32 = arith.constant 0 : i32
    %c0_i32_1 = arith.constant 0 : i32
    return %add3A, %c0_i32 : i32, i32
  }
  func.func @transform_1(%arg0: i32, %arg1: i32) -> (i32, i32) {
    %mul3A = arith.constant 64 : i32
    %mul3A_0 = arith.muli %arg0, %mul3A : i32
    %mul3A_1 = arith.constant 4 : i32
    %mul3A_2 = arith.muli %arg0, %mul3A_1 : i32
    %add3A = arith.addi %mul3A_2, %arg1 : i32
    %mul3A_3 = arith.constant 16 : i32
    %mul3A_4 = arith.muli %add3A, %mul3A_3 : i32
    %sub3A = arith.constant 1 : i32
    %sub3A_5 = arith.subi %mul3A_4, %sub3A : i32
    %max3A = arith.maxsi %mul3A_0, %sub3A_5 : i32
    %c0_i32 = arith.constant 0 : i32
    %c0_i32_6 = arith.constant 0 : i32
    return %max3A, %c0_i32 : i32, i32
  }
  func.func @transform_2(%arg0: i32, %arg1: i32) -> (i32, i32) {
    %mul3A = arith.constant 64 : i32
    %mul3A_0 = arith.muli %arg0, %mul3A : i32
    %add3A = arith.constant 64 : i32
    %add3A_1 = arith.addi %mul3A_0, %add3A : i32
    %sub3A = arith.constant 1 : i32
    %sub3A_2 = arith.subi %add3A_1, %sub3A : i32
    %mul3A_3 = arith.constant 4 : i32
    %mul3A_4 = arith.muli %arg0, %mul3A_3 : i32
    %add3A_5 = arith.addi %mul3A_4, %arg1 : i32
    %mul3A_6 = arith.constant 16 : i32
    %mul3A_7 = arith.muli %add3A_5, %mul3A_6 : i32
    %add3A_8 = arith.constant 16 : i32
    %add3A_9 = arith.addi %mul3A_7, %add3A_8 : i32
    %min3A = arith.minsi %sub3A_2, %add3A_9 : i32
    %c0_i32 = arith.constant 0 : i32
    %c0_i32_10 = arith.constant 0 : i32
    return %min3A, %c0_i32 : i32, i32
  }
  func.func @transform_3(%arg0: i32, %arg1: i32) -> (i32, i32) {
    %c0_i32 = arith.constant 0 : i32
    %c0_i32_0 = arith.constant 0 : i32
    %c0_i32_1 = arith.constant 0 : i32
    return %c0_i32, %c0_i32_0 : i32, i32
  }
  func.func @transform_4(%arg0: i32, %arg1: i32) -> (i32, i32) {
    %mul3A = arith.constant 4 : i32
    %mul3A_0 = arith.muli %arg0, %mul3A : i32
    %add3A = arith.addi %mul3A_0, %arg1 : i32
    %c0_i32 = arith.constant 0 : i32
    %c0_i32_1 = arith.constant 0 : i32
    return %add3A, %c0_i32 : i32, i32
  }
  func.func @transform_5(%arg0: i32, %arg1: i32) -> (i32, i32) {
    %c0_i32 = arith.constant 0 : i32
    %c0_i32_0 = arith.constant 0 : i32
    %c0_i32_1 = arith.constant 0 : i32
    return %c0_i32, %c0_i32_0 : i32, i32
  }
  func.func @transform_6(%arg0: i32, %arg1: i32) -> (i32, i32) {
    %c0_i32 = arith.constant 0 : i32
    %c0_i32_0 = arith.constant 0 : i32
    %c0_i32_1 = arith.constant 0 : i32
    return %c0_i32, %c0_i32_0 : i32, i32
  }
  func.func @transform_7(%arg0: i32, %arg1: i32) -> (i32, i32) {
    %mul3A = arith.constant 4 : i32
    %mul3A_0 = arith.muli %arg0, %mul3A : i32
    %add3A = arith.addi %mul3A_0, %arg1 : i32
    %c0_i32 = arith.constant 0 : i32
    %c0_i32_1 = arith.constant 0 : i32
    return %add3A, %c0_i32 : i32, i32
  }
}

</mosaic_0001>

<sc_bundles>
// kernel: kernel.12.cloned.1.call-start
scs
__scs_entry_jumppad:
0x0: {  	(pc) =	sbr.rel $0x88, $3  }
0x1: {  	(tag) =	ssettag $0x0;
	lr =	simm.s32 $0x1  }
0x2: {  	[smem:$0x3F93] =	sst lr;
	_ =	strace $0xD0000000  }
0x3: {  	_ = 	snop  }
0x4: {  	_ = 	snop  }
0x5: {  	_ = 	snop  }
0x6: {  	_ = 	snop  }
0x7: {  	_ = 	snop  }
__scs_overlays_trampoline_lowered:
0x8: {  	[smem:$0x3FA2] =	sst s0  }
0x9: {  	[smem:$0x3FA3] =	sst s1  }
0xa: {  	[smem:$0x3FA4] =	sst s2  }
0xb: {  	[smem:$0x3FA5] =	sst s3  }
0xc: {  	[smem:$0x3FA6] =	sst s4  }
0xd: {  	[smem:$0x3FA7] =	sst s5  }
0xe: {  	[smem:$0x3FA8] =	sst s6  }
0xf: {  	[smem:$0x3FA9] =	sst s7  }
0x10: {  	[smem:$0x3FAA] =	sst s8  }
0x11: {  	[smem:$0x3FAB] =	sst s9;
	s0 =	simm.s32 @!p0 $0x0  }
0x12: {  	s1 =	sld [smem:$0x3F91];
	s0 =	simm.s32 @p0 $0x1  }
0x13: {  	[smem:$0x3FAC] =	sst s0;
	s0 =	simm.s32 @!p1 $0x0  }
0x14: {  	s2 =	sld [smem:$0x3F90];
	s0 =	simm.s32 @p1 $0x1  }
0x15: {  	[smem:$0x3FAD] =	sst s0;
	s0 =	simm.s32 @!p2 $0x0  }
0x16: {  	s3 =	sld [smem:$0x3FDB];
	s0 =	simm.s32 @p2 $0x1  }
0x17: {  	s4 =	simm.s32 $0x1BF5;
	[smem:$0x3FAF] =	sst s0  }
0x18: {  	s0 =	sld [smem:$0x3F92];
	_ =	swait.ge [sflag:s4], $0x0  }
0x19: {  	s7 =	sld [smem:$0x3F93]  }
0x1a: {  	s8 =	sadd.s32 $0xFFFFE003, lr  }
0x1b: {  	s9 =	sadd.s32 $0xFFFFFEF7, lr;
	s5 =	simm.s32 $0xFFFFFFFF;
	p2 =	slt.u32 s8, $0xFFFFF086  }
0x1c: {  	p1 =	slt.u32 s9, $0xF7A;
	s5 =	simm.s32 @!p2 $0x0  }
0x1d: {  	s5 =	simm.s32 @p1 $0x1;
	p0 =	seq.s32 s7, s2  }
0x1e: {  	s7 =	smul.u32 @!p0 $0xF7A, s2;
	p2 =	seq.s32 @!p0 s5, $0x0  }
0x1f: {  	s9 =	smul.u32 $0xF7A, s1;
	s8 =	simm.s32 @!p0 $0x1BF5;
	p2 =	por !p2, p0  }
0x20: {  	[sflag:s8] =	ssyncset.s32 @!p0 $0xFFFFF086;
	s6 =	sadd.s32 @!p0 s3, s7;
	s7 =	simm.s32 @!p0 $0x108  }
0x21: {  	s3 =	sadd.s32 s3, s9;
	s6 =	sadd.s32 @!p0 $0x88, s6;
	s7 =	simm.s32 @p2 $0x1082  }
0x22: {  	[simem:s7], [sflag:s8] =	dma.local @!p0 [hbm:s6], $0xF7A  }
0x23: {  	s9 =	sor.u32 $0xD0000000, s2;
	s6 =	simm.s32 $0x108;
	_ =	swait.ge @!p0 [sflag:s8], $0x0  }
0x24: {  	s3 =	sadd.s32 $0x88, s3;
	s6 =	simm.s32 @!p1 $0x1082;
	[sflag:s4] =	ssyncset.s32 $0xFFFFF086  }
0x25: {  	[simem:s6], [sflag:s4] =	dma.local [hbm:s3], $0xF7A  }
0x26: {  	[smem:$0x3F93] =	sst s1;
	(tag) =	ssettag s2;
	_ =	strace s9  }
0x27: {  	s1 =	sld [smem:$0x3FA3]  }
0x28: {  	s2 =	sld [smem:$0x3FA4]  }
0x29: {  	s4 =	sld [smem:$0x3FA6]  }
0x2a: {  	p0 =	seq.s32 s5, $0x0;
	s5 =	sld [smem:$0x3FA7]  }
0x2b: {  	s6 =	sld [smem:$0x3FA8]  }
0x2c: {  	s7 =	sld [smem:$0x3FA9]  }
0x2d: {  	s3 =	simm.s32 $0x108;
	s8 =	sld [smem:$0x3FAA]  }
0x2e: {  	s3 =	simm.s32 @!p0 $0x1082;
	s9 =	sld [smem:$0x3FAB]  }
0x2f: {  	lr =	sadd.s32 s0, s3;
	s0 =	sld [smem:$0x3FA2]  }
0x30: {  	s3 =	sld [smem:$0x3FA5]  }
0x31: {  	[smem:$0x3FAE] =	sst s10  }
0x32: {  	s10 =	sld [smem:$0x3FAC];
	_ =	sdelay $0x3  }
0x33: {  	p0 =	seq.s32 s10, $0x1;
	s10 =	sld [smem:$0x3FAE];
	_ =	sdelay $0x3  }
0x34: {  	[smem:$0x3FAE] =	sst s10  }
0x35: {  	s10 =	sld [smem:$0x3FAD];
	_ =	sdelay $0x3  }
0x36: {  	p1 =	seq.s32 s10, $0x1;
	s10 =	sld [smem:$0x3FAE];
	_ =	sdelay $0x3  }
0x37: {  	[smem:$0x3FAE] =	sst s10  }
0x38: {  	s10 =	sld [smem:$0x3FAF]  }
0x39: {  	_ = 	snop;
	(pc) =	sbr.ind lr, $3  }
0x3a: {  	_ = 	snop  }
0x3b: {  	_ = 	snop  }
0x3c: {  	p2 =	seq.s32 s10, $0x1;
	s10 =	sld [smem:$0x3FAE]  }
0x3d: {  	_ =	shalt  }
0x3e: {  	_ =	shalt  }
0x3f: {  	_ =	shalt  }
0x40: {  	_ =	shalt  }
0x41: {  	_ =	shalt  }
0x42: {  	_ =	shalt  }
0x43: {  	_ =	shalt  }
0x44: {  	_ =	shalt  }
0x45: {  	_ =	shalt  }
0x46: {  	_ =	shalt  }
0x47: {  	_ =	shalt  }
0x48: {  	_ =	shalt  }
0x49: {  	_ =	shalt  }
0x4a: {  	_ =	shalt  }
0x4b: {  	_ =	shalt  }
0x4c: {  	_ =	shalt  }
0x4d: {  	_ =	shalt  }
0x4e: {  	_ =	shalt  }
0x4f: {  	_ =	shalt  }
0x50: {  	_ =	shalt  }
0x51: {  	_ =	shalt  }
0x52: {  	_ =	shalt  }
0x53: {  	_ =	shalt  }
0x54: {  	_ =	shalt  }
0x55: {  	_ =	shalt  }
0x56: {  	_ =	shalt  }
0x57: {  	_ =	shalt  }
0x58: {  	_ =	shalt  }
0x59: {  	_ =	shalt  }
0x5a: {  	_ =	shalt  }
0x5b: {  	_ =	shalt  }
0x5c: {  	_ =	shalt  }
0x5d: {  	_ =	shalt  }
0x5e: {  	_ =	shalt  }
0x5f: {  	_ =	shalt  }
0x60: {  	_ =	shalt  }
0x61: {  	_ =	shalt  }
0x62: {  	_ =	shalt  }
0x63: {  	_ =	shalt  }
0x64: {  	_ =	shalt  }
0x65: {  	_ =	shalt  }
0x66: {  	_ =	shalt  }
0x67: {  	_ =	shalt  }
0x68: {  	_ =	shalt  }
0x69: {  	_ =	shalt  }
0x6a: {  	_ =	shalt  }
0x6b: {  	_ =	shalt  }
0x6c: {  	_ =	shalt  }
0x6d: {  	_ =	shalt  }
0x6e: {  	_ =	shalt  }
0x6f: {  	_ =	shalt  }
0x70: {  	_ =	shalt  }
0x71: {  	_ =	shalt  }
0x72: {  	_ =	shalt  }
0x73: {  	_ =	shalt  }
0x74: {  	_ =	shalt  }
0x75: {  	_ =	shalt  }
0x76: {  	_ =	shalt  }
0x77: {  	_ =	shalt  }
0x78: {  	_ =	shalt  }
0x79: {  	_ =	shalt  }
0x7a: {  	_ =	shalt  }
0x7b: {  	_ =	shalt  }
0x7c: {  	_ =	shalt  }
0x7d: {  	_ =	shalt  }
0x7e: {  	_ =	shalt  }
0x7f: {  	_ =	shalt  }
0x80: {  	_ =	shalt  }
0x81: {  	_ =	shalt  }
0x82: {  	_ =	shalt  }
0x83: {  	_ =	shalt  }
0x84: {  	_ =	shalt  }
0x85: {  	_ =	shalt  }
0x86: {  	_ =	shalt  }
0x87: {  	_ =	shalt  }
.Lfunc_end0:
.L_simem_size_0:
called_computation.1_lowered:
.L_overlay_start_0:
0x88: {  	s0 =	sld [smem:$0x3FD9]  }
0x89: {  	s1 =	sld [smem:$0x3FFE];
	_ =	sdelay $0x3  }
0x8a: {  	s0 =	sadd.s32 s1, s0  }
0x8b: {  	[smem:$0x3FBA] =	sst s0  }
0x8c: {  	_ = 	snop  }
0x8d: {  	s0 =	sld [smem:$0x3FD0];
	(tm) =	ssettm $0x1  }
0x8e: {  	s16 =	sld [smem:$0x3FFB];
	_ =	sdelay $0x3  }
0x8f: {  	_ =	strace s16  }
0x90: {  	s1 =	sld [smem:$0x3FFC];
	_ =	sdelay $0x3  }
0x91: {  	_ =	strace s1  }
0x92: {  	s1 =	sld [smem:$0x3FFD];
	_ =	sdelay $0x3  }
0x93: {  	_ =	strace s1  }
0x94: {  	_ =	strace $0x8FFFFFFF  }
0x95: {  	s17 =	sld [smem:$0x3FDB];
	_ =	sdelay $0x1  }
0x96: {  	s2 =	simm.s32 $_scs_section_size  }
0x97: {  	s3 =	simm.s32 $_size__tile_overlayer_lowered;
	s4 =	simm.s32 $_tile_overlayer_lowered  }
0x98: {  	s20 =	simm.s32 $0x1BFF;
	s19 =	sshll.u32 s4, $0x1;
	s1 =	sadd.s32 s2, s17  }
0x99: {  	s5 =	simm.s32 $0x0;
	s18 =	sshll.u32 s3, $0x1;
	s3 =	sadd.s32 s19, s1  }
0x9a: {  	[timem:s5], [sflag:s20] =	dma.local [hbm:s3], s18  }
0x9b: {  	_ =	swait.ge [sflag:s20], s18  }
0x9c: {  	s2 =	ssub.s32 $0x0, s18;
	[sflag:s20] =	ssyncset.done $0x0  }
0x9d: {  	[sflag:s20] =	ssyncadd.s32 s2;
	_ =	sdelay $0x1  }
0x9e: {  	s21 =	simm.s32 $0x1B8B  }
0x9f: {  	_ =	swait.ge [sflag:s21], $0x1  }
0xa0: {  	[sflag:s21] =	ssyncset.done $0x0  }
0xa1: {  	s23 =	simm.s32 $0x1B8E;
	s22 =	sld [smem:$0x3FFE];
	[sflag:s21] =	ssyncadd.s32 $0xFFFFFFFF  }
0xa2: {  	s24 =	simm.s32 $execute0_lowered;
	[smem:$0x3FD2] =	sst s23  }
0xa3: {  	s3 =	sshll.u32 s24, $0x1;
	_ =	strace $0x80000049;
	[dreg:$0x1] =	wrdreg $0xFFFFFFFF  }
0xa4: {  	s25 =	simm.s32 $_size_execute0_lowered;
	s1 =	sadd.s32 s1, s3;
	[dreg:$0x0] =	wrdreg $0x0  }
0xa5: {  	s3 =	sshll.u32 s25, $0x1;
	[dreg:$0x2] =	wrdreg s1  }
0xa6: {  	[dreg:$0x3] =	wrdreg s3  }
0xa7: {  	[dreg:$0x4] =	wrdreg $0xC0  }
0xa8: {  	_ =	task [dreg:s5], $0x5FFFF  }
0xa9: {  	[dreg:$0x1] =	wrdreg $0xFFFFFFFF  }
0xaa: {  	[dreg:$0x0] =	wrdreg $0x60  }
0xab: {  	[dreg:$0x2] =	wrdreg s22  }
0xac: {  	[dreg:$0x3] =	wrdreg s0  }
0xad: {  	[dreg:$0x4] =	wrdreg $0x9  }
0xae: {  	_ =	task.clear_ibuf [dreg:s5], $0x5FFFF;
	_ =	strace $0x90000049  }
0xaf: {  	s26 =	simm.s32 $0x9;
	_ =	strace $0x8000004B  }
0xb0: {  	_ =	swait.ge [sflag:s26], $0x1  }
0xb1: {  	[sflag:s26] =	ssyncadd.s32 $0xFFFFFFFF  }
0xb2: {  	_ =	strace $0x9000004B  }
0xb3: {  	_ =	sfence  }
0xb4: {  	s28 =	sld [smem:$0x0];
	_ =	sdelay $0x1  }
0xb5: {  	s29 =	srdreg.scid  }
0xb6: {  	s30 =	sshll.u32 s29, $0xD;
	s31 =	sshrl.u32 s29, $0x2  }
0xb7: {  	s2 =	sand.u32 $0x4000, s30;
	s1 =	sand.u32 $0x1, s29;
	s0 =	sadd.s32 s31, s28  }
0xb8: {  	s1 =	sor.u32 s2, s1;
	s0 =	sshll.u32 s0, $0x11  }
0xb9: {  	s0 =	sor.u32 s0, s1  }
0xba: {  	s0 =	sadd.s32 $0x8F2B, s0  }
0xbb: {  	[sflag:s0] =	ssyncadd.remote.s32 $0x1  }
0xbc: {  	_ =	sfence.sel $0xFFFF  }
0xbd: {  	[dreg:$0x0] =	wrdreg $0xFFFFFFFF;
	(pc) =	sbr.abs _section_cstart, $3  }
0xbe: {  	[dreg:$0x1] =	wrdreg $0xFFFFFFFF  }
0xbf: {  	_ =	task.clear_ibuf [dreg:s5], $0x2FFFF;
	_ =	strace $0x9FFFFFFF  }
0xc0: {  	(tm) =	ssettm $0x7FFFFFFF  }
0xc1: {  	_ =	shalt  }
tec
execute0_lowered:
.L_overlay_start_1:
0x0: {  	(tag) =	ssettag $0x1  }
0x1: {  	s0 =	rddreg [dreg:$0x0]  }
0x2: {  	s1 =	rddreg [dreg:$0x1];
	s2 =	simm.s32 $0x0;
	s3 =	stileid.u32  }
0x3: {  	[smem:$0x7FF] =	sst s2;
	s4 =	sshll.u32 s3, $0xF;
	s6 =	sshll.u32 s3, $0x6  }
0x4: {  	s3 =	sadd.s32 $0x86C00, s0;
	_ =	strace $0x8000004A;
	s5 =	sadd.s32 s4, s0  }
0x5: {  	s4 =	sadd.s32 s3, s4;
	s7 =	sor.u32 $0x1C02, s6;
	s5 =	sadd.s32 $0x2800, s5  }
0x6: {  	[hbm:s4], [sflag:s7] =	dma.local [hbm:s5], $0x8000  }
0x7: {  	s4 =	simm.s32 $0x2  }
0x8: {  	_ =	swait.ge [sflag:s4], $0x8000  }
0x9: {  	[sflag:s4] =	ssyncset.done $0x0  }
0xa: {  	s0 =	sadd.s32 s6, s0;
	[sflag:s4] =	ssyncadd.s32 $0xFFFF8000  }
0xb: {  	s0 =	sadd.s32 $0x86800, s0;
	[bflag:$0x0] =	sbarrier.arrive $0xFFFF  }
0xc: {  	[tilespmem:s2], [sflag:$0x2] =	stream.linear.gather [hbm4b:s0+s2], $0x200, $0x38;
	[tilespmem:$0x10200] =	vst v63  }
0xd: {  	s8 =	stileid.u32;
	_ =	swait.ge [sflag:s4], $0x200  }
0xe: {  	s25 =	sshll.u32 s8, $0xE;
	[sflag:s4] =	ssyncset.done $0x0  }
0xf: {  	s6 =	sadd.s32 s1, s25;
	s5 =	simm.s32 $0x200;
	[sflag:s4] =	ssyncadd.s32 $0xFFFFFE00  }
0x10: {  	[tilespmem:s5], [sflag:$0x2] =	stream.linear.gather [hbm4b:s6+s2], $0x10000, $0x38;
	[tilespmem:$0x10200] =	vst v63  }
0x11: {  	_ =	swait.ge [sflag:s4], $0x10000  }
0x12: {  	[sflag:s4] =	ssyncset.done $0x0  }
0x13: {  	[sflag:s4] =	ssyncadd.s32 $0xFFFF0000  }
0x14: {  	v0 =	vld [tilespmem:$0x0];
	_ =	sdelay $0x4  }
0x15: {  	v1 =	vshll.u32 v0, $0x1  }
0x16: {  	v2 =	vlaneseq.u32;
	v0 =	vand.u32 $0x7, v0;
	v1 =	vand.u32 $0xFFFFFFF0, v1  }
0x17: {  	v30 =	vand.u32 $0x7, v2;
	v31 =	vshrl.u32 v2, $0x3;
	v3 =	vor.u32 v0, v1  }
0x18: {  	v1 =	vmul.u32 $0x8, v31;
	v4 =	vperm.xlane v3, v30  }
0x19: {  	v2 =	vor.u32 $0x8, v2  }
0x1a: {  	v3 =	vperm.xlane v3, v2;
	v4 =	vadd.s32 v1, v4;
	_ =	sdelay $0x1  }
0x1b: {  	v3 =	vadd.s32 v1, v3;
	_ =	sdelay $0x1  }
0x1c: {  	vm0 =	vmmov $0xffff  }
0x1d: {  	[hbm4b:s3+s2] =	stream.indirect_vreg.scatter [tilespmem:s5], [sflag:$0x1], $0x80, v4, vm0, $0xb8;
	[tilespmem:$0x10200] =	vst v63  }
0x1e: {  	s26 =	simm.s32 $0xA00  }
0x1f: {  	[hbm4b:s3+s2] =	stream.indirect_vreg.scatter [tilespmem:s26], [sflag:$0x1], $0x80, v3, vm0, $0xb8;
	[tilespmem:$0x10200] =	vst v63  }
0x20: {  	v3 =	vld [tilespmem:$0x10];
	_ =	sdelay $0x4  }
0x21: {  	v32 =	vshll.u32 v3, $0x1  }
0x22: {  	v3 =	vand.u32 $0x7, v3;
	v4 =	vand.u32 $0xFFFFFFF0, v32  }
0x23: {  	v3 =	vor.u32 v3, v4  }
0x24: {  	v4 =	vperm.xlane v3, v30;
	_ =	sdelay $0x1  }
0x25: {  	v3 =	vperm.xlane v3, v2;
	v4 =	vadd.s32 v1, v4;
	_ =	sdelay $0x1  }
0x26: {  	v3 =	vadd.s32 v1, v3;
	_ =	sdelay $0x1  }
0x27: {  	s28 =	simm.s32 $0x1200  }
0x28: {  	[hbm4b:s3+s2] =	stream.indirect_vreg.scatter [tilespmem:s28], [sflag:$0x1], $0x80, v4, vm0, $0xb8;
	[tilespmem:$0x10200] =	vst v63  }
0x29: {  	s29 =	simm.s32 $0x1A00  }
0x2a: {  	[hbm4b:s3+s2] =	stream.indirect_vreg.scatter [tilespmem:s29], [sflag:$0x1], $0x80, v3, vm0, $0xb8;
	[tilespmem:$0x10200] =	vst v63  }
0x2b: {  	v3 =	vld [tilespmem:$0x20];
	_ =	sdelay $0x4  }
0x2c: {  	v33 =	vshll.u32 v3, $0x1  }
0x2d: {  	v3 =	vand.u32 $0x7, v3;
	v4 =	vand.u32 $0xFFFFFFF0, v33  }
0x2e: {  	v3 =	vor.u32 v3, v4  }
0x2f: {  	v4 =	vperm.xlane v3, v30;
	_ =	sdelay $0x1  }
0x30: {  	v3 =	vperm.xlane v3, v2;
	v4 =	vadd.s32 v1, v4;
	_ =	sdelay $0x1  }
0x31: {  	v3 =	vadd.s32 v1, v3;
	_ =	sdelay $0x1  }
0x32: {  	s30 =	simm.s32 $0x2200  }
0x33: {  	[hbm4b:s3+s2] =	stream.indirect_vreg.scatter [tilespmem:s30], [sflag:$0x1], $0x80, v4, vm0, $0xb8;
	[tilespmem:$0x10200] =	vst v63  }
0x34: {  	s31 =	simm.s32 $0x2A00  }
0x35: {  	[hbm4b:s3+s2] =	stream.indirect_vreg.scatter [tilespmem:s31], [sflag:$0x1], $0x80, v3, vm0, $0xb8;
	[tilespmem:$0x10200] =	vst v63  }
0x36: {  	v3 =	vld [tilespmem:$0x30];
	_ =	sdelay $0x4  }
0x37: {  	v34 =	vshll.u32 v3, $0x1  }
0x38: {  	v3 =	vand.u32 $0x7, v3;
	v4 =	vand.u32 $0xFFFFFFF0, v34  }
0x39: {  	v3 =	vor.u32 v3, v4  }
0x3a: {  	v4 =	vperm.xlane v3, v30;
	_ =	sdelay $0x1  }
0x3b: {  	v3 =	vperm.xlane v3, v2;
	v4 =	vadd.s32 v1, v4;
	_ =	sdelay $0x1  }
0x3c: {  	v3 =	vadd.s32 v1, v3;
	_ =	sdelay $0x1  }
0x3d: {  	s1 =	simm.s32 $0x3200  }
0x3e: {  	[hbm4b:s3+s2] =	stream.indirect_vreg.scatter [tilespmem:s1], [sflag:$0x1], $0x80, v4, vm0, $0xb8;
	[tilespmem:$0x10200] =	vst v63  }
0x3f: {  	s13 =	simm.s32 $0x3A00  }
0x40: {  	[hbm4b:s3+s2] =	stream.indirect_vreg.scatter [tilespmem:s13], [sflag:$0x1], $0x80, v3, vm0, $0xb8;
	[tilespmem:$0x10200] =	vst v63  }
0x41: {  	v3 =	vld [tilespmem:$0x40];
	_ =	sdelay $0x4  }
0x42: {  	v35 =	vshll.u32 v3, $0x1  }
0x43: {  	v3 =	vand.u32 $0x7, v3;
	v4 =	vand.u32 $0xFFFFFFF0, v35  }
0x44: {  	v3 =	vor.u32 v3, v4  }
0x45: {  	v4 =	vperm.xlane v3, v30;
	_ =	sdelay $0x1  }
0x46: {  	v3 =	vperm.xlane v3, v2;
	v4 =	vadd.s32 v1, v4;
	_ =	sdelay $0x1  }
0x47: {  	v3 =	vadd.s32 v1, v3;
	_ =	sdelay $0x1  }
0x48: {  	s14 =	simm.s32 $0x4200  }
0x49: {  	[hbm4b:s3+s2] =	stream.indirect_vreg.scatter [tilespmem:s14], [sflag:$0x1], $0x80, v4, vm0, $0xb8;
	[tilespmem:$0x10200] =	vst v63  }
0x4a: {  	s15 =	simm.s32 $0x4A00  }
0x4b: {  	[hbm4b:s3+s2] =	stream.indirect_vreg.scatter [tilespmem:s15], [sflag:$0x1], $0x80, v3, vm0, $0xb8;
	[tilespmem:$0x10200] =	vst v63  }
0x4c: {  	v3 =	vld [tilespmem:$0x50];
	_ =	sdelay $0x4  }
0x4d: {  	v36 =	vshll.u32 v3, $0x1  }
0x4e: {  	v3 =	vand.u32 $0x7, v3;
	v4 =	vand.u32 $0xFFFFFFF0, v36  }
0x4f: {  	v3 =	vor.u32 v3, v4  }
0x50: {  	v4 =	vperm.xlane v3, v30;
	_ =	sdelay $0x1  }
0x51: {  	v3 =	vperm.xlane v3, v2;
	v4 =	vadd.s32 v1, v4;
	_ =	sdelay $0x1  }
0x52: {  	v3 =	vadd.s32 v1, v3;
	_ =	sdelay $0x1  }
0x53: {  	s16 =	simm.s32 $0x5200  }
0x54: {  	[hbm4b:s3+s2] =	stream.indirect_vreg.scatter [tilespmem:s16], [sflag:$0x1], $0x80, v4, vm0, $0xb8;
	[tilespmem:$0x10200] =	vst v63  }
0x55: {  	s17 =	simm.s32 $0x5A00  }
0x56: {  	[hbm4b:s3+s2] =	stream.indirect_vreg.scatter [tilespmem:s17], [sflag:$0x1], $0x80, v3, vm0, $0xb8;
	[tilespmem:$0x10200] =	vst v63  }
0x57: {  	v3 =	vld [tilespmem:$0x60];
	_ =	sdelay $0x4  }
0x58: {  	v37 =	vshll.u32 v3, $0x1  }
0x59: {  	v3 =	vand.u32 $0x7, v3;
	v4 =	vand.u32 $0xFFFFFFF0, v37  }
0x5a: {  	v3 =	vor.u32 v3, v4  }
0x5b: {  	v4 =	vperm.xlane v3, v30;
	_ =	sdelay $0x1  }
0x5c: {  	v3 =	vperm.xlane v3, v2;
	v4 =	vadd.s32 v1, v4;
	_ =	sdelay $0x1  }
0x5d: {  	v3 =	vadd.s32 v1, v3;
	_ =	sdelay $0x1  }
0x5e: {  	s18 =	simm.s32 $0x6200  }
0x5f: {  	[hbm4b:s3+s2] =	stream.indirect_vreg.scatter [tilespmem:s18], [sflag:$0x1], $0x80, v4, vm0, $0xb8;
	[tilespmem:$0x10200] =	vst v63  }
0x60: {  	s19 =	simm.s32 $0x6A00  }
0x61: {  	[hbm4b:s3+s2] =	stream.indirect_vreg.scatter [tilespmem:s19], [sflag:$0x1], $0x80, v3, vm0, $0xb8;
	[tilespmem:$0x10200] =	vst v63  }
0x62: {  	v3 =	vld [tilespmem:$0x70];
	_ =	sdelay $0x4  }
0x63: {  	v38 =	vshll.u32 v3, $0x1  }
0x64: {  	v3 =	vand.u32 $0x7, v3;
	v4 =	vand.u32 $0xFFFFFFF0, v38  }
0x65: {  	v3 =	vor.u32 v3, v4  }
0x66: {  	v4 =	vperm.xlane v3, v30;
	_ =	sdelay $0x1  }
0x67: {  	v3 =	vperm.xlane v3, v2;
	v4 =	vadd.s32 v1, v4;
	_ =	sdelay $0x1  }
0x68: {  	v3 =	vadd.s32 v1, v3;
	_ =	sdelay $0x1  }
0x69: {  	s20 =	simm.s32 $0x7200  }
0x6a: {  	[hbm4b:s3+s2] =	stream.indirect_vreg.scatter [tilespmem:s20], [sflag:$0x1], $0x80, v4, vm0, $0xb8;
	[tilespmem:$0x10200] =	vst v63  }
0x6b: {  	s21 =	simm.s32 $0x7A00  }
0x6c: {  	[hbm4b:s3+s2] =	stream.indirect_vreg.scatter [tilespmem:s21], [sflag:$0x1], $0x80, v3, vm0, $0xb8;
	[tilespmem:$0x10200] =	vst v63  }
0x6d: {  	v3 =	vld [tilespmem:$0x80];
	_ =	sdelay $0x4  }
0x6e: {  	v39 =	vshll.u32 v3, $0x1  }
0x6f: {  	v3 =	vand.u32 $0x7, v3;
	v4 =	vand.u32 $0xFFFFFFF0, v39  }
0x70: {  	v3 =	vor.u32 v3, v4  }
0x71: {  	v4 =	vperm.xlane v3, v30;
	_ =	sdelay $0x1  }
0x72: {  	v3 =	vperm.xlane v3, v2;
	v4 =	vadd.s32 v1, v4;
	_ =	sdelay $0x1  }
0x73: {  	v3 =	vadd.s32 v1, v3;
	_ =	sdelay $0x1  }
0x74: {  	s22 =	simm.s32 $0x8200  }
0x75: {  	[hbm4b:s3+s2] =	stream.indirect_vreg.scatter [tilespmem:s22], [sflag:$0x1], $0x80, v4, vm0, $0xb8;
	[tilespmem:$0x10200] =	vst v63  }
0x76: {  	s23 =	simm.s32 $0x8A00  }
0x77: {  	[hbm4b:s3+s2] =	stream.indirect_vreg.scatter [tilespmem:s23], [sflag:$0x1], $0x80, v3, vm0, $0xb8;
	[tilespmem:$0x10200] =	vst v63  }
0x78: {  	v3 =	vld [tilespmem:$0x90];
	_ =	sdelay $0x4  }
0x79: {  	v40 =	vshll.u32 v3, $0x1  }
0x7a: {  	v3 =	vand.u32 $0x7, v3;
	v4 =	vand.u32 $0xFFFFFFF0, v40  }
0x7b: {  	v3 =	vor.u32 v3, v4  }
0x7c: {  	v4 =	vperm.xlane v3, v30;
	_ =	sdelay $0x1  }
0x7d: {  	v3 =	vperm.xlane v3, v2;
	v4 =	vadd.s32 v1, v4;
	_ =	sdelay $0x1  }
0x7e: {  	v3 =	vadd.s32 v1, v3;
	_ =	sdelay $0x1  }
0x7f: {  	s24 =	simm.s32 $0x9200  }
0x80: {  	[hbm4b:s3+s2] =	stream.indirect_vreg.scatter [tilespmem:s24], [sflag:$0x1], $0x80, v4, vm0, $0xb8;
	[tilespmem:$0x10200] =	vst v63  }
0x81: {  	s25 =	simm.s32 $0x9A00  }
0x82: {  	[hbm4b:s3+s2] =	stream.indirect_vreg.scatter [tilespmem:s25], [sflag:$0x1], $0x80, v3, vm0, $0xb8;
	[tilespmem:$0x10200] =	vst v63  }
0x83: {  	v3 =	vld [tilespmem:$0xA0];
	_ =	sdelay $0x4  }
0x84: {  	v41 =	vshll.u32 v3, $0x1  }
0x85: {  	v3 =	vand.u32 $0x7, v3;
	v4 =	vand.u32 $0xFFFFFFF0, v41  }
0x86: {  	v3 =	vor.u32 v3, v4  }
0x87: {  	v4 =	vperm.xlane v3, v30;
	_ =	sdelay $0x1  }
0x88: {  	v3 =	vperm.xlane v3, v2;
	v4 =	vadd.s32 v1, v4;
	_ =	sdelay $0x1  }
0x89: {  	v3 =	vadd.s32 v1, v3;
	_ =	sdelay $0x1  }
0x8a: {  	s26 =	simm.s32 $0xA200  }
0x8b: {  	[hbm4b:s3+s2] =	stream.indirect_vreg.scatter [tilespmem:s26], [sflag:$0x1], $0x80, v4, vm0, $0xb8;
	[tilespmem:$0x10200] =	vst v63  }
0x8c: {  	s28 =	simm.s32 $0xAA00  }
0x8d: {  	[hbm4b:s3+s2] =	stream.indirect_vreg.scatter [tilespmem:s28], [sflag:$0x1], $0x80, v3, vm0, $0xb8;
	[tilespmem:$0x10200] =	vst v63  }
0x8e: {  	v3 =	vld [tilespmem:$0xB0];
	_ =	sdelay $0x4  }
0x8f: {  	v42 =	vshll.u32 v3, $0x1  }
0x90: {  	v3 =	vand.u32 $0x7, v3;
	v4 =	vand.u32 $0xFFFFFFF0, v42  }
0x91: {  	v3 =	vor.u32 v3, v4  }
0x92: {  	v4 =	vperm.xlane v3, v30;
	_ =	sdelay $0x1  }
0x93: {  	v3 =	vperm.xlane v3, v2;
	v4 =	vadd.s32 v1, v4;
	_ =	sdelay $0x1  }
0x94: {  	v3 =	vadd.s32 v1, v3;
	_ =	sdelay $0x1  }
0x95: {  	s29 =	simm.s32 $0xB200  }
0x96: {  	[hbm4b:s3+s2] =	stream.indirect_vreg.scatter [tilespmem:s29], [sflag:$0x1], $0x80, v4, vm0, $0xb8;
	[tilespmem:$0x10200] =	vst v63  }
0x97: {  	s30 =	simm.s32 $0xBA00  }
0x98: {  	[hbm4b:s3+s2] =	stream.indirect_vreg.scatter [tilespmem:s30], [sflag:$0x1], $0x80, v3, vm0, $0xb8;
	[tilespmem:$0x10200] =	vst v63  }
0x99: {  	v3 =	vld [tilespmem:$0xC0];
	_ =	sdelay $0x4  }
0x9a: {  	v43 =	vshll.u32 v3, $0x1  }
0x9b: {  	v3 =	vand.u32 $0x7, v3;
	v4 =	vand.u32 $0xFFFFFFF0, v43  }
0x9c: {  	v3 =	vor.u32 v3, v4  }
0x9d: {  	v4 =	vperm.xlane v3, v30;
	_ =	sdelay $0x1  }
0x9e: {  	v3 =	vperm.xlane v3, v2;
	v4 =	vadd.s32 v1, v4;
	_ =	sdelay $0x1  }
0x9f: {  	v3 =	vadd.s32 v1, v3;
	_ =	sdelay $0x1  }
0xa0: {  	s31 =	simm.s32 $0xC200  }
0xa1: {  	[hbm4b:s3+s2] =	stream.indirect_vreg.scatter [tilespmem:s31], [sflag:$0x1], $0x80, v4, vm0, $0xb8;
	[tilespmem:$0x10200] =	vst v63  }
0xa2: {  	s12 =	simm.s32 $0xCA00  }
0xa3: {  	[hbm4b:s3+s2] =	stream.indirect_vreg.scatter [tilespmem:s12], [sflag:$0x1], $0x80, v3, vm0, $0xb8;
	[tilespmem:$0x10200] =	vst v63  }
0xa4: {  	v3 =	vld [tilespmem:$0xD0];
	_ =	sdelay $0x4  }
0xa5: {  	v44 =	vshll.u32 v3, $0x1  }
0xa6: {  	v3 =	vand.u32 $0x7, v3;
	v4 =	vand.u32 $0xFFFFFFF0, v44  }
0xa7: {  	v3 =	vor.u32 v3, v4  }
0xa8: {  	v4 =	vperm.xlane v3, v30;
	_ =	sdelay $0x1  }
0xa9: {  	v3 =	vperm.xlane v3, v2;
	v4 =	vadd.s32 v1, v4;
	_ =	sdelay $0x1  }
0xaa: {  	v3 =	vadd.s32 v1, v3;
	_ =	sdelay $0x1  }
0xab: {  	s11 =	simm.s32 $0xD200  }
0xac: {  	[hbm4b:s3+s2] =	stream.indirect_vreg.scatter [tilespmem:s11], [sflag:$0x1], $0x80, v4, vm0, $0xb8;
	[tilespmem:$0x10200] =	vst v63  }
0xad: {  	s10 =	simm.s32 $0xDA00  }
0xae: {  	[hbm4b:s3+s2] =	stream.indirect_vreg.scatter [tilespmem:s10], [sflag:$0x1], $0x80, v3, vm0, $0xb8;
	[tilespmem:$0x10200] =	vst v63  }
0xaf: {  	v3 =	vld [tilespmem:$0xE0];
	_ =	sdelay $0x4  }
0xb0: {  	v45 =	vshll.u32 v3, $0x1  }
0xb1: {  	v3 =	vand.u32 $0x7, v3;
	v4 =	vand.u32 $0xFFFFFFF0, v45  }
0xb2: {  	v3 =	vor.u32 v3, v4  }
0xb3: {  	v4 =	vperm.xlane v3, v30;
	_ =	sdelay $0x1  }
0xb4: {  	v3 =	vperm.xlane v3, v2;
	v4 =	vadd.s32 v1, v4;
	_ =	sdelay $0x1  }
0xb5: {  	v3 =	vadd.s32 v1, v3;
	_ =	sdelay $0x1  }
0xb6: {  	s9 =	simm.s32 $0xE200  }
0xb7: {  	[hbm4b:s3+s2] =	stream.indirect_vreg.scatter [tilespmem:s9], [sflag:$0x1], $0x80, v4, vm0, $0xb8;
	[tilespmem:$0x10200] =	vst v63  }
0xb8: {  	s8 =	simm.s32 $0xEA00  }
0xb9: {  	[hbm4b:s3+s2] =	stream.indirect_vreg.scatter [tilespmem:s8], [sflag:$0x1], $0x80, v3, vm0, $0xb8;
	[tilespmem:$0x10200] =	vst v63  }
0xba: {  	v3 =	vld [tilespmem:$0xF0];
	_ =	sdelay $0x4  }
0xbb: {  	v46 =	vshll.u32 v3, $0x1  }
0xbc: {  	v3 =	vand.u32 $0x7, v3;
	v4 =	vand.u32 $0xFFFFFFF0, v46  }
0xbd: {  	v3 =	vor.u32 v3, v4  }
0xbe: {  	v4 =	vperm.xlane v3, v30;
	_ =	sdelay $0x1  }
0xbf: {  	v3 =	vperm.xlane v3, v2;
	v4 =	vadd.s32 v1, v4;
	_ =	sdelay $0x1  }
0xc0: {  	v3 =	vadd.s32 v1, v3;
	_ =	sdelay $0x1  }
0xc1: {  	s7 =	simm.s32 $0xF200  }
0xc2: {  	[hbm4b:s3+s2] =	stream.indirect_vreg.scatter [tilespmem:s7], [sflag:$0x1], $0x80, v4, vm0, $0xb8;
	[tilespmem:$0x10200] =	vst v63  }
0xc3: {  	s0 =	simm.s32 $0x1;
	s1 =	simm.s32 $0xFA00  }
0xc4: {  	[hbm4b:s3+s2] =	stream.indirect_vreg.scatter [tilespmem:s1], [sflag:$0x1], $0x80, v3, vm0, $0xb8;
	[tilespmem:$0x10200] =	vst v63  }
0xc5: {  	_ =	swait.ge [sflag:s0], $0x8000  }
0xc6: {  	[sflag:s0] =	ssyncset.done $0x0  }
0xc7: {  	[sflag:s0] =	ssyncadd.s32 $0xFFFF8000  }
0xc8: {  	_ =	swait.ge [sflag:s0], $0x8000  }
0xc9: {  	[sflag:s0] =	ssyncset.done $0x0  }
0xca: {  	s6 =	sadd.s32 $0x2000, s6;
	[sflag:s0] =	ssyncadd.s32 $0xFFFF8000  }
0xcb: {  	[tilespmem:s5], [sflag:$0x2] =	stream.linear.gather [hbm4b:s6+s2], $0x10000, $0x38;
	[tilespmem:$0x10200] =	vst v63  }
0xcc: {  	_ =	swait.ge [sflag:s4], $0x10000  }
0xcd: {  	[sflag:s4] =	ssyncset.done $0x0  }
0xce: {  	[sflag:s4] =	ssyncadd.s32 $0xFFFF0000  }
0xcf: {  	v47 =	vld [tilespmem:$0x100];
	_ =	sdelay $0x4  }
0xd0: {  	v48 =	vshll.u32 v47, $0x1  }
0xd1: {  	v3 =	vand.u32 $0x7, v47;
	v4 =	vand.u32 $0xFFFFFFF0, v48  }
0xd2: {  	v3 =	vor.u32 v3, v4  }
0xd3: {  	v4 =	vperm.xlane v3, v30;
	_ =	sdelay $0x1  }
0xd4: {  	v3 =	vperm.xlane v3, v2;
	v4 =	vadd.s32 v1, v4;
	_ =	sdelay $0x1  }
0xd5: {  	v3 =	vadd.s32 v1, v3;
	_ =	sdelay $0x2  }
0xd6: {  	[hbm4b:s3+s2] =	stream.indirect_vreg.scatter [tilespmem:s5], [sflag:$0x1], $0x80, v4, vm0, $0xb8;
	[tilespmem:$0x10200] =	vst v63  }
0xd7: {  	s5 =	simm.s32 $0xA00  }
0xd8: {  	[hbm4b:s3+s2] =	stream.indirect_vreg.scatter [tilespmem:s5], [sflag:$0x1], $0x80, v3, vm0, $0xb8;
	[tilespmem:$0x10200] =	vst v63  }
0xd9: {  	v3 =	vld [tilespmem:$0x110];
	_ =	sdelay $0x4  }
0xda: {  	v49 =	vshll.u32 v3, $0x1  }
0xdb: {  	v3 =	vand.u32 $0x7, v3;
	v4 =	vand.u32 $0xFFFFFFF0, v49  }
0xdc: {  	v3 =	vor.u32 v3, v4  }
0xdd: {  	v4 =	vperm.xlane v3, v30;
	_ =	sdelay $0x1  }
0xde: {  	v3 =	vperm.xlane v3, v2;
	v4 =	vadd.s32 v1, v4;
	_ =	sdelay $0x1  }
0xdf: {  	v3 =	vadd.s32 v1, v3;
	_ =	sdelay $0x1  }
0xe0: {  	s6 =	simm.s32 $0x1200  }
0xe1: {  	[hbm4b:s3+s2] =	stream.indirect_vreg.scatter [tilespmem:s6], [sflag:$0x1], $0x80, v4, vm0, $0xb8;
	[tilespmem:$0x10200] =	vst v63  }
0xe2: {  	s5 =	simm.s32 $0x1A00  }
0xe3: {  	[hbm4b:s3+s2] =	stream.indirect_vreg.scatter [tilespmem:s5], [sflag:$0x1], $0x80, v3, vm0, $0xb8;
	[tilespmem:$0x10200] =	vst v63  }
0xe4: {  	v3 =	vld [tilespmem:$0x120];
	_ =	sdelay $0x4  }
0xe5: {  	v50 =	vshll.u32 v3, $0x1  }
0xe6: {  	v3 =	vand.u32 $0x7, v3;
	v4 =	vand.u32 $0xFFFFFFF0, v50  }
0xe7: {  	v3 =	vor.u32 v3, v4  }
0xe8: {  	v4 =	vperm.xlane v3, v30;
	_ =	sdelay $0x1  }
0xe9: {  	v3 =	vperm.xlane v3, v2;
	v4 =	vadd.s32 v1, v4;
	_ =	sdelay $0x1  }
0xea: {  	v3 =	vadd.s32 v1, v3;
	_ =	sdelay $0x1  }
0xeb: {  	s6 =	simm.s32 $0x2200  }
0xec: {  	[hbm4b:s3+s2] =	stream.indirect_vreg.scatter [tilespmem:s6], [sflag:$0x1], $0x80, v4, vm0, $0xb8;
	[tilespmem:$0x10200] =	vst v63  }
0xed: {  	s5 =	simm.s32 $0x2A00  }
0xee: {  	[hbm4b:s3+s2] =	stream.indirect_vreg.scatter [tilespmem:s5], [sflag:$0x1], $0x80, v3, vm0, $0xb8;
	[tilespmem:$0x10200] =	vst v63  }
0xef: {  	v3 =	vld [tilespmem:$0x130];
	_ =	sdelay $0x4  }
0xf0: {  	v51 =	vshll.u32 v3, $0x1  }
0xf1: {  	v3 =	vand.u32 $0x7, v3;
	v4 =	vand.u32 $0xFFFFFFF0, v51  }
0xf2: {  	v3 =	vor.u32 v3, v4  }
0xf3: {  	v4 =	vperm.xlane v3, v30;
	_ =	sdelay $0x1  }
0xf4: {  	v3 =	vperm.xlane v3, v2;
	v4 =	vadd.s32 v1, v4;
	_ =	sdelay $0x1  }
0xf5: {  	v3 =	vadd.s32 v1, v3;
	_ =	sdelay $0x1  }
0xf6: {  	s6 =	simm.s32 $0x3200  }
0xf7: {  	[hbm4b:s3+s2] =	stream.indirect_vreg.scatter [tilespmem:s6], [sflag:$0x1], $0x80, v4, vm0, $0xb8;
	[tilespmem:$0x10200] =	vst v63  }
0xf8: {  	_ = 	snop  }
0xf9: {  	[hbm4b:s3+s2] =	stream.indirect_vreg.scatter [tilespmem:s13], [sflag:$0x1], $0x80, v3, vm0, $0xb8;
	[tilespmem:$0x10200] =	vst v63  }
0xfa: {  	v3 =	vld [tilespmem:$0x140];
	_ =	sdelay $0x4  }
0xfb: {  	v52 =	vshll.u32 v3, $0x1  }
0xfc: {  	v3 =	vand.u32 $0x7, v3;
	v4 =	vand.u32 $0xFFFFFFF0, v52  }
0xfd: {  	v3 =	vor.u32 v3, v4  }
0xfe: {  	v4 =	vperm.xlane v3, v30;
	_ =	sdelay $0x1  }
0xff: {  	v3 =	vperm.xlane v3, v2;
	v4 =	vadd.s32 v1, v4;
	_ =	sdelay $0x1  }
0x100: {  	v3 =	vadd.s32 v1, v3;
	_ =	sdelay $0x2  }
0x101: {  	[hbm4b:s3+s2] =	stream.indirect_vreg.scatter [tilespmem:s14], [sflag:$0x1], $0x80, v4, vm0, $0xb8;
	[tilespmem:$0x10200] =	vst v63  }
0x102: {  	_ = 	snop  }
0x103: {  	[hbm4b:s3+s2] =	stream.indirect_vreg.scatter [tilespmem:s15], [sflag:$0x1], $0x80, v3, vm0, $0xb8;
	[tilespmem:$0x10200] =	vst v63  }
0x104: {  	v3 =	vld [tilespmem:$0x150];
	_ =	sdelay $0x4  }
0x105: {  	v53 =	vshll.u32 v3, $0x1  }
0x106: {  	v3 =	vand.u32 $0x7, v3;
	v4 =	vand.u32 $0xFFFFFFF0, v53  }
0x107: {  	v3 =	vor.u32 v3, v4  }
0x108: {  	v4 =	vperm.xlane v3, v30;
	_ =	sdelay $0x1  }
0x109: {  	v3 =	vperm.xlane v3, v2;
	v4 =	vadd.s32 v1, v4;
	_ =	sdelay $0x1  }
0x10a: {  	v3 =	vadd.s32 v1, v3;
	_ =	sdelay $0x2  }
0x10b: {  	[hbm4b:s3+s2] =	stream.indirect_vreg.scatter [tilespmem:s16], [sflag:$0x1], $0x80, v4, vm0, $0xb8;
	[tilespmem:$0x10200] =	vst v63  }
0x10c: {  	_ = 	snop  }
0x10d: {  	[hbm4b:s3+s2] =	stream.indirect_vreg.scatter [tilespmem:s17], [sflag:$0x1], $0x80, v3, vm0, $0xb8;
	[tilespmem:$0x10200] =	vst v63  }
0x10e: {  	v3 =	vld [tilespmem:$0x160];
	_ =	sdelay $0x4  }
0x10f: {  	v54 =	vshll.u32 v3, $0x1  }
0x110: {  	v3 =	vand.u32 $0x7, v3;
	v4 =	vand.u32 $0xFFFFFFF0, v54  }
0x111: {  	v3 =	vor.u32 v3, v4  }
0x112: {  	v4 =	vperm.xlane v3, v30;
	_ =	sdelay $0x1  }
0x113: {  	v3 =	vperm.xlane v3, v2;
	v4 =	vadd.s32 v1, v4;
	_ =	sdelay $0x1  }
0x114: {  	v3 =	vadd.s32 v1, v3;
	_ =	sdelay $0x2  }
0x115: {  	[hbm4b:s3+s2] =	stream.indirect_vreg.scatter [tilespmem:s18], [sflag:$0x1], $0x80, v4, vm0, $0xb8;
	[tilespmem:$0x10200] =	vst v63  }
0x116: {  	_ = 	snop  }
0x117: {  	[hbm4b:s3+s2] =	stream.indirect_vreg.scatter [tilespmem:s19], [sflag:$0x1], $0x80, v3, vm0, $0xb8;
	[tilespmem:$0x10200] =	vst v63  }
0x118: {  	v3 =	vld [tilespmem:$0x170];
	_ =	sdelay $0x4  }
0x119: {  	v55 =	vshll.u32 v3, $0x1  }
0x11a: {  	v3 =	vand.u32 $0x7, v3;
	v4 =	vand.u32 $0xFFFFFFF0, v55  }
0x11b: {  	v3 =	vor.u32 v3, v4  }
0x11c: {  	v4 =	vperm.xlane v3, v30;
	_ =	sdelay $0x1  }
0x11d: {  	v3 =	vperm.xlane v3, v2;
	v4 =	vadd.s32 v1, v4;
	_ =	sdelay $0x1  }
0x11e: {  	v3 =	vadd.s32 v1, v3;
	_ =	sdelay $0x2  }
0x11f: {  	[hbm4b:s3+s2] =	stream.indirect_vreg.scatter [tilespmem:s20], [sflag:$0x1], $0x80, v4, vm0, $0xb8;
	[tilespmem:$0x10200] =	vst v63  }
0x120: {  	_ = 	snop  }
0x121: {  	[hbm4b:s3+s2] =	stream.indirect_vreg.scatter [tilespmem:s21], [sflag:$0x1], $0x80, v3, vm0, $0xb8;
	[tilespmem:$0x10200] =	vst v63  }
0x122: {  	v3 =	vld [tilespmem:$0x180];
	_ =	sdelay $0x4  }
0x123: {  	v56 =	vshll.u32 v3, $0x1  }
0x124: {  	v3 =	vand.u32 $0x7, v3;
	v4 =	vand.u32 $0xFFFFFFF0, v56  }
0x125: {  	v3 =	vor.u32 v3, v4  }
0x126: {  	v4 =	vperm.xlane v3, v30;
	_ =	sdelay $0x1  }
0x127: {  	v3 =	vperm.xlane v3, v2;
	v4 =	vadd.s32 v1, v4;
	_ =	sdelay $0x1  }
0x128: {  	v3 =	vadd.s32 v1, v3;
	_ =	sdelay $0x2  }
0x129: {  	[hbm4b:s3+s2] =	stream.indirect_vreg.scatter [tilespmem:s22], [sflag:$0x1], $0x80, v4, vm0, $0xb8;
	[tilespmem:$0x10200] =	vst v63  }
0x12a: {  	_ = 	snop  }
0x12b: {  	[hbm4b:s3+s2] =	stream.indirect_vreg.scatter [tilespmem:s23], [sflag:$0x1], $0x80, v3, vm0, $0xb8;
	[tilespmem:$0x10200] =	vst v63  }
0x12c: {  	v3 =	vld [tilespmem:$0x190];
	_ =	sdelay $0x4  }
0x12d: {  	v57 =	vshll.u32 v3, $0x1  }
0x12e: {  	v3 =	vand.u32 $0x7, v3;
	v4 =	vand.u32 $0xFFFFFFF0, v57  }
0x12f: {  	v3 =	vor.u32 v3, v4  }
0x130: {  	v4 =	vperm.xlane v3, v30;
	_ =	sdelay $0x1  }
0x131: {  	v3 =	vperm.xlane v3, v2;
	v4 =	vadd.s32 v1, v4;
	_ =	sdelay $0x1  }
0x132: {  	v3 =	vadd.s32 v1, v3;
	_ =	sdelay $0x2  }
0x133: {  	[hbm4b:s3+s2] =	stream.indirect_vreg.scatter [tilespmem:s24], [sflag:$0x1], $0x80, v4, vm0, $0xb8;
	[tilespmem:$0x10200] =	vst v63  }
0x134: {  	_ = 	snop  }
0x135: {  	[hbm4b:s3+s2] =	stream.indirect_vreg.scatter [tilespmem:s25], [sflag:$0x1], $0x80, v3, vm0, $0xb8;
	[tilespmem:$0x10200] =	vst v63  }
0x136: {  	v3 =	vld [tilespmem:$0x1A0];
	_ =	sdelay $0x4  }
0x137: {  	v58 =	vshll.u32 v3, $0x1  }
0x138: {  	v3 =	vand.u32 $0x7, v3;
	v4 =	vand.u32 $0xFFFFFFF0, v58  }
0x139: {  	v3 =	vor.u32 v3, v4  }
0x13a: {  	v4 =	vperm.xlane v3, v30;
	_ =	sdelay $0x1  }
0x13b: {  	v3 =	vperm.xlane v3, v2;
	v4 =	vadd.s32 v1, v4;
	_ =	sdelay $0x1  }
0x13c: {  	v3 =	vadd.s32 v1, v3;
	_ =	sdelay $0x2  }
0x13d: {  	[hbm4b:s3+s2] =	stream.indirect_vreg.scatter [tilespmem:s26], [sflag:$0x1], $0x80, v4, vm0, $0xb8;
	[tilespmem:$0x10200] =	vst v63  }
0x13e: {  	_ = 	snop  }
0x13f: {  	[hbm4b:s3+s2] =	stream.indirect_vreg.scatter [tilespmem:s28], [sflag:$0x1], $0x80, v3, vm0, $0xb8;
	[tilespmem:$0x10200] =	vst v63  }
0x140: {  	v3 =	vld [tilespmem:$0x1B0];
	_ =	sdelay $0x4  }
0x141: {  	v59 =	vshll.u32 v3, $0x1  }
0x142: {  	v3 =	vand.u32 $0x7, v3;
	v4 =	vand.u32 $0xFFFFFFF0, v59  }
0x143: {  	v3 =	vor.u32 v3, v4  }
0x144: {  	v4 =	vperm.xlane v3, v30;
	_ =	sdelay $0x1  }
0x145: {  	v3 =	vperm.xlane v3, v2;
	v4 =	vadd.s32 v1, v4;
	_ =	sdelay $0x1  }
0x146: {  	v3 =	vadd.s32 v1, v3;
	_ =	sdelay $0x2  }
0x147: {  	[hbm4b:s3+s2] =	stream.indirect_vreg.scatter [tilespmem:s29], [sflag:$0x1], $0x80, v4, vm0, $0xb8;
	[tilespmem:$0x10200] =	vst v63  }
0x148: {  	_ = 	snop  }
0x149: {  	[hbm4b:s3+s2] =	stream.indirect_vreg.scatter [tilespmem:s30], [sflag:$0x1], $0x80, v3, vm0, $0xb8;
	[tilespmem:$0x10200] =	vst v63  }
0x14a: {  	v3 =	vld [tilespmem:$0x1C0];
	_ =	sdelay $0x4  }
0x14b: {  	v60 =	vshll.u32 v3, $0x1  }
0x14c: {  	v3 =	vand.u32 $0x7, v3;
	v4 =	vand.u32 $0xFFFFFFF0, v60  }
0x14d: {  	v3 =	vor.u32 v3, v4  }
0x14e: {  	v4 =	vperm.xlane v3, v30;
	_ =	sdelay $0x1  }
0x14f: {  	v3 =	vperm.xlane v3, v2;
	v4 =	vadd.s32 v1, v4;
	_ =	sdelay $0x1  }
0x150: {  	v3 =	vadd.s32 v1, v3;
	_ =	sdelay $0x2  }
0x151: {  	[hbm4b:s3+s2] =	stream.indirect_vreg.scatter [tilespmem:s31], [sflag:$0x1], $0x80, v4, vm0, $0xb8;
	[tilespmem:$0x10200] =	vst v63  }
0x152: {  	_ = 	snop  }
0x153: {  	[hbm4b:s3+s2] =	stream.indirect_vreg.scatter [tilespmem:s12], [sflag:$0x1], $0x80, v3, vm0, $0xb8;
	[tilespmem:$0x10200] =	vst v63  }
0x154: {  	v3 =	vld [tilespmem:$0x1D0];
	_ =	sdelay $0x4  }
0x155: {  	v61 =	vshll.u32 v3, $0x1  }
0x156: {  	v3 =	vand.u32 $0x7, v3;
	v4 =	vand.u32 $0xFFFFFFF0, v61  }
0x157: {  	v3 =	vor.u32 v3, v4  }
0x158: {  	v4 =	vperm.xlane v3, v30;
	_ =	sdelay $0x1  }
0x159: {  	v3 =	vperm.xlane v3, v2;
	v4 =	vadd.s32 v1, v4;
	_ =	sdelay $0x1  }
0x15a: {  	v3 =	vadd.s32 v1, v3;
	_ =	sdelay $0x2  }
0x15b: {  	[hbm4b:s3+s2] =	stream.indirect_vreg.scatter [tilespmem:s11], [sflag:$0x1], $0x80, v4, vm0, $0xb8;
	[tilespmem:$0x10200] =	vst v63  }
0x15c: {  	_ = 	snop  }
0x15d: {  	[hbm4b:s3+s2] =	stream.indirect_vreg.scatter [tilespmem:s10], [sflag:$0x1], $0x80, v3, vm0, $0xb8;
	[tilespmem:$0x10200] =	vst v63  }
0x15e: {  	v3 =	vld [tilespmem:$0x1E0];
	_ =	sdelay $0x4  }
0x15f: {  	v62 =	vshll.u32 v3, $0x1  }
0x160: {  	v3 =	vand.u32 $0x7, v3;
	v4 =	vand.u32 $0xFFFFFFF0, v62  }
0x161: {  	v3 =	vor.u32 v3, v4  }
0x162: {  	v4 =	vperm.xlane v3, v30;
	_ =	sdelay $0x1  }
0x163: {  	v3 =	vperm.xlane v3, v2;
	v4 =	vadd.s32 v1, v4;
	_ =	sdelay $0x1  }
0x164: {  	v3 =	vadd.s32 v1, v3;
	_ =	sdelay $0x2  }
0x165: {  	[hbm4b:s3+s2] =	stream.indirect_vreg.scatter [tilespmem:s9], [sflag:$0x1], $0x80, v4, vm0, $0xb8;
	[tilespmem:$0x10200] =	vst v63  }
0x166: {  	_ = 	snop  }
0x167: {  	[hbm4b:s3+s2] =	stream.indirect_vreg.scatter [tilespmem:s8], [sflag:$0x1], $0x80, v3, vm0, $0xb8;
	[tilespmem:$0x10200] =	vst v63  }
0x168: {  	v3 =	vld [tilespmem:$0x1F0];
	_ =	sdelay $0x4  }
0x169: {  	v63 =	vshll.u32 v3, $0x1  }
0x16a: {  	v3 =	vand.u32 $0x7, v3;
	v4 =	vand.u32 $0xFFFFFFF0, v63  }
0x16b: {  	v3 =	vor.u32 v3, v4  }
0x16c: {  	v0 =	vperm.xlane v3, v30;
	_ =	sdelay $0x1  }
0x16d: {  	v2 =	vperm.xlane v3, v2;
	v0 =	vadd.s32 v1, v0;
	_ =	sdelay $0x1  }
0x16e: {  	v1 =	vadd.s32 v1, v2;
	_ =	sdelay $0x2  }
0x16f: {  	[hbm4b:s3+s2] =	stream.indirect_vreg.scatter [tilespmem:s7], [sflag:$0x1], $0x80, v0, vm0, $0xb8;
	[tilespmem:$0x10200] =	vst v63  }
0x170: {  	_ = 	snop  }
0x171: {  	[hbm4b:s3+s2] =	stream.indirect_vreg.scatter [tilespmem:s1], [sflag:$0x1], $0x80, v1, vm0, $0xb8;
	[tilespmem:$0x10200] =	vst v63  }
0x172: {  	_ =	swait.ge [sflag:s0], $0x8000  }
0x173: {  	[sflag:s0] =	ssyncset.done $0x0  }
0x174: {  	[sflag:s0] =	ssyncadd.s32 $0xFFFF8000  }
0x175: {  	_ =	swait.ge [sflag:s0], $0x8000  }
0x176: {  	[sflag:s0] =	ssyncset.done $0x0  }
0x177: {  	[sflag:s0] =	ssyncadd.s32 $0xFFFF8000  }
0x178: {  	_ =	sfence.sel $0x180000  }
0x179: {  	[bflag:$0x0] =	sbarrier.arrive $0xFFFF  }
0x17a: {  	_ =	strace $0x9000004A  }
0x17b: {  	s31 =	stileid.u32;
	[bflag:$0x2] =	sbarrier.arrive $0xFFFF  }
0x17c: {  	p0 =	sne.s32 s31, $0x0;
	s0 =	rddreg [dreg:$0x2]  }
0x17d: {  	s0 =	sadd.s32 @!p0 $0x100000, s0  }
0x17e: {  	[sflag:s0] =	ssyncadd.tile.s32 @!p0 $0x1;
	_ =	shalt  }
.Lfunc_end2:
_tile_overlayer_lowered:
.L_overlay_start_2:
0x17f: {  	(tag) =	ssettag $0x2  }
0x180: {  	s0 =	rddreg [dreg:$0x0];
	s2 =	stileid.u32  }
0x181: {  	s1 =	rddreg [dreg:$0x1];
	p0 =	sne.s32 s2, $0x0  }
0x182: {  	s3 =	rddreg [dreg:$0x2];
	[bflag:$0x3] =	sbarrier.arrive $0xFFFF;
	s2 =	simm.s32 @!p0 $0x1C02  }
0x183: {  	[timem:s3], [sflag:s2] =	dma.local @!p0 [hbm:s0], s1  }
0x184: {  	s0 =	simm.s32 @!p0 $0x2  }
0x185: {  	_ =	swait.ge @!p0 [sflag:s0], s1  }
0x186: {  	s1 =	ssub.s32 @!p0 $0x0, s1;
	[sflag:s0] =	ssyncset.done @!p0 $0x0  }
0x187: {  	[sflag:s0] =	ssyncadd.s32 @!p0 s1  }
0x188: {  	[bflag:$0x3] =	sbarrier.arrive $0xFFFF  }
0x189: {  	_ =	shalt  }

// kernel: kernel.9.cloned.1.call-start
scs
__scs_entry_jumppad:
0x0: {  	(pc) =	sbr.rel $0x88, $3  }
0x1: {  	(tag) =	ssettag $0x0;
	lr =	simm.s32 $0x1  }
0x2: {  	[smem:$0x3F93] =	sst lr;
	_ =	strace $0xD0000000  }
0x3: {  	_ = 	snop  }
0x4: {  	_ = 	snop  }
0x5: {  	_ = 	snop  }
0x6: {  	_ = 	snop  }
0x7: {  	_ = 	snop  }
__scs_overlays_trampoline_lowered:
0x8: {  	[smem:$0x3FA2] =	sst s0  }
0x9: {  	[smem:$0x3FA3] =	sst s1  }
0xa: {  	[smem:$0x3FA4] =	sst s2  }
0xb: {  	[smem:$0x3FA5] =	sst s3  }
0xc: {  	[smem:$0x3FA6] =	sst s4  }
0xd: {  	[smem:$0x3FA7] =	sst s5  }
0xe: {  	[smem:$0x3FA8] =	sst s6  }
0xf: {  	[smem:$0x3FA9] =	sst s7  }
0x10: {  	[smem:$0x3FAA] =	sst s8  }
0x11: {  	[smem:$0x3FAB] =	sst s9;
	s0 =	simm.s32 @!p0 $0x0  }
0x12: {  	s1 =	sld [smem:$0x3F91];
	s0 =	simm.s32 @p0 $0x1  }
0x13: {  	[smem:$0x3FAC] =	sst s0;
	s0 =	simm.s32 @!p1 $0x0  }
0x14: {  	s2 =	sld [smem:$0x3F90];
	s0 =	simm.s32 @p1 $0x1  }
0x15: {  	[smem:$0x3FAD] =	sst s0;
	s0 =	simm.s32 @!p2 $0x0  }
0x16: {  	s3 =	sld [smem:$0x3FDB];
	s0 =	simm.s32 @p2 $0x1  }
0x17: {  	s4 =	simm.s32 $0x1BF5;
	[smem:$0x3FAF] =	sst s0  }
0x18: {  	s0 =	sld [smem:$0x3F92];
	_ =	swait.ge [sflag:s4], $0x0  }
0x19: {  	s7 =	sld [smem:$0x3F93]  }
0x1a: {  	s8 =	sadd.s32 $0xFFFFE003, lr  }
0x1b: {  	s9 =	sadd.s32 $0xFFFFFEF7, lr;
	s5 =	simm.s32 $0xFFFFFFFF;
	p2 =	slt.u32 s8, $0xFFFFF086  }
0x1c: {  	p1 =	slt.u32 s9, $0xF7A;
	s5 =	simm.s32 @!p2 $0x0  }
0x1d: {  	s5 =	simm.s32 @p1 $0x1;
	p0 =	seq.s32 s7, s2  }
0x1e: {  	s7 =	smul.u32 @!p0 $0xF7A, s2;
	p2 =	seq.s32 @!p0 s5, $0x0  }
0x1f: {  	s9 =	smul.u32 $0xF7A, s1;
	s8 =	simm.s32 @!p0 $0x1BF5;
	p2 =	por !p2, p0  }
0x20: {  	[sflag:s8] =	ssyncset.s32 @!p0 $0xFFFFF086;
	s6 =	sadd.s32 @!p0 s3, s7;
	s7 =	simm.s32 @!p0 $0x108  }
0x21: {  	s3 =	sadd.s32 s3, s9;
	s6 =	sadd.s32 @!p0 $0x88, s6;
	s7 =	simm.s32 @p2 $0x1082  }
0x22: {  	[simem:s7], [sflag:s8] =	dma.local @!p0 [hbm:s6], $0xF7A  }
0x23: {  	s9 =	sor.u32 $0xD0000000, s2;
	s6 =	simm.s32 $0x108;
	_ =	swait.ge @!p0 [sflag:s8], $0x0  }
0x24: {  	s3 =	sadd.s32 $0x88, s3;
	s6 =	simm.s32 @!p1 $0x1082;
	[sflag:s4] =	ssyncset.s32 $0xFFFFF086  }
0x25: {  	[simem:s6], [sflag:s4] =	dma.local [hbm:s3], $0xF7A  }
0x26: {  	[smem:$0x3F93] =	sst s1;
	(tag) =	ssettag s2;
	_ =	strace s9  }
0x27: {  	s1 =	sld [smem:$0x3FA3]  }
0x28: {  	s2 =	sld [smem:$0x3FA4]  }
0x29: {  	s4 =	sld [smem:$0x3FA6]  }
0x2a: {  	p0 =	seq.s32 s5, $0x0;
	s5 =	sld [smem:$0x3FA7]  }
0x2b: {  	s6 =	sld [smem:$0x3FA8]  }
0x2c: {  	s7 =	sld [smem:$0x3FA9]  }
0x2d: {  	s3 =	simm.s32 $0x108;
	s8 =	sld [smem:$0x3FAA]  }
0x2e: {  	s3 =	simm.s32 @!p0 $0x1082;
	s9 =	sld [smem:$0x3FAB]  }
0x2f: {  	lr =	sadd.s32 s0, s3;
	s0 =	sld [smem:$0x3FA2]  }
0x30: {  	s3 =	sld [smem:$0x3FA5]  }
0x31: {  	[smem:$0x3FAE] =	sst s10  }
0x32: {  	s10 =	sld [smem:$0x3FAC];
	_ =	sdelay $0x3  }
0x33: {  	p0 =	seq.s32 s10, $0x1;
	s10 =	sld [smem:$0x3FAE];
	_ =	sdelay $0x3  }
0x34: {  	[smem:$0x3FAE] =	sst s10  }
0x35: {  	s10 =	sld [smem:$0x3FAD];
	_ =	sdelay $0x3  }
0x36: {  	p1 =	seq.s32 s10, $0x1;
	s10 =	sld [smem:$0x3FAE];
	_ =	sdelay $0x3  }
0x37: {  	[smem:$0x3FAE] =	sst s10  }
0x38: {  	s10 =	sld [smem:$0x3FAF]  }
0x39: {  	_ = 	snop;
	(pc) =	sbr.ind lr, $3  }
0x3a: {  	_ = 	snop  }
0x3b: {  	_ = 	snop  }
0x3c: {  	p2 =	seq.s32 s10, $0x1;
	s10 =	sld [smem:$0x3FAE]  }
0x3d: {  	_ =	shalt  }
0x3e: {  	_ =	shalt  }
0x3f: {  	_ =	shalt  }
0x40: {  	_ =	shalt  }
0x41: {  	_ =	shalt  }
0x42: {  	_ =	shalt  }
0x43: {  	_ =	shalt  }
0x44: {  	_ =	shalt  }
0x45: {  	_ =	shalt  }
0x46: {  	_ =	shalt  }
0x47: {  	_ =	shalt  }
0x48: {  	_ =	shalt  }
0x49: {  	_ =	shalt  }
0x4a: {  	_ =	shalt  }
0x4b: {  	_ =	shalt  }
0x4c: {  	_ =	shalt  }
0x4d: {  	_ =	shalt  }
0x4e: {  	_ =	shalt  }
0x4f: {  	_ =	shalt  }
0x50: {  	_ =	shalt  }
0x51: {  	_ =	shalt  }
0x52: {  	_ =	shalt  }
0x53: {  	_ =	shalt  }
0x54: {  	_ =	shalt  }
0x55: {  	_ =	shalt  }
0x56: {  	_ =	shalt  }
0x57: {  	_ =	shalt  }
0x58: {  	_ =	shalt  }
0x59: {  	_ =	shalt  }
0x5a: {  	_ =	shalt  }
0x5b: {  	_ =	shalt  }
0x5c: {  	_ =	shalt  }
0x5d: {  	_ =	shalt  }
0x5e: {  	_ =	shalt  }
0x5f: {  	_ =	shalt  }
0x60: {  	_ =	shalt  }
0x61: {  	_ =	shalt  }
0x62: {  	_ =	shalt  }
0x63: {  	_ =	shalt  }
0x64: {  	_ =	shalt  }
0x65: {  	_ =	shalt  }
0x66: {  	_ =	shalt  }
0x67: {  	_ =	shalt  }
0x68: {  	_ =	shalt  }
0x69: {  	_ =	shalt  }
0x6a: {  	_ =	shalt  }
0x6b: {  	_ =	shalt  }
0x6c: {  	_ =	shalt  }
0x6d: {  	_ =	shalt  }
0x6e: {  	_ =	shalt  }
0x6f: {  	_ =	shalt  }
0x70: {  	_ =	shalt  }
0x71: {  	_ =	shalt  }
0x72: {  	_ =	shalt  }
0x73: {  	_ =	shalt  }
0x74: {  	_ =	shalt  }
0x75: {  	_ =	shalt  }
0x76: {  	_ =	shalt  }
0x77: {  	_ =	shalt  }
0x78: {  	_ =	shalt  }
0x79: {  	_ =	shalt  }
0x7a: {  	_ =	shalt  }
0x7b: {  	_ =	shalt  }
0x7c: {  	_ =	shalt  }
0x7d: {  	_ =	shalt  }
0x7e: {  	_ =	shalt  }
0x7f: {  	_ =	shalt  }
0x80: {  	_ =	shalt  }
0x81: {  	_ =	shalt  }
0x82: {  	_ =	shalt  }
0x83: {  	_ =	shalt  }
0x84: {  	_ =	shalt  }
0x85: {  	_ =	shalt  }
0x86: {  	_ =	shalt  }
0x87: {  	_ =	shalt  }
.Lfunc_end0:
.L_simem_size_0:
called_computation_lowered:
.L_overlay_start_0:
0x88: {  	s2 =	sld [smem:$0x3FD9]  }
0x89: {  	s3 =	sld [smem:$0x3FFE];
	_ =	sdelay $0x1  }
0x8a: {  	s1 =	srdreg.scid  }
0x8b: {  	s0 =	sand.u32 $0x1, s1  }
0x8c: {  	s17 =	sshll.u32 s0, $0xA;
	s2 =	sadd.s32 s3, s2  }
0x8d: {  	s2 =	sadd.s32 s2, s17  }
0x8e: {  	[smem:$0x3FBA] =	sst s2  }
0x8f: {  	_ = 	snop  }
0x90: {  	s2 =	sld [smem:$0x3FD0];
	(tm) =	ssettm $0x1  }
0x91: {  	s18 =	sld [smem:$0x3FFB];
	_ =	sdelay $0x3  }
0x92: {  	_ =	strace s18  }
0x93: {  	s3 =	sld [smem:$0x3FFC];
	_ =	sdelay $0x3  }
0x94: {  	_ =	strace s3  }
0x95: {  	s3 =	sld [smem:$0x3FFD];
	_ =	sdelay $0x3  }
0x96: {  	_ =	strace s3  }
0x97: {  	_ =	strace $0x8FFFFFFF  }
0x98: {  	s19 =	sld [smem:$0x3FDB];
	_ =	sdelay $0x1  }
0x99: {  	s4 =	simm.s32 $_scs_section_size  }
0x9a: {  	s5 =	simm.s32 $_size__tile_overlayer_lowered;
	s6 =	simm.s32 $_tile_overlayer_lowered  }
0x9b: {  	s22 =	simm.s32 $0x1BFF;
	s21 =	sshll.u32 s6, $0x1;
	s3 =	sadd.s32 s4, s19  }
0x9c: {  	s7 =	simm.s32 $0x0;
	s20 =	sshll.u32 s5, $0x1;
	s5 =	sadd.s32 s21, s3  }
0x9d: {  	[timem:s7], [sflag:s22] =	dma.local [hbm:s5], s20  }
0x9e: {  	_ =	swait.ge [sflag:s22], s20  }
0x9f: {  	s4 =	ssub.s32 $0x0, s20;
	[sflag:s22] =	ssyncset.done $0x0  }
0xa0: {  	[sflag:s22] =	ssyncadd.s32 s4;
	_ =	sdelay $0x1  }
0xa1: {  	s23 =	simm.s32 $0x1B8B  }
0xa2: {  	_ =	swait.ge [sflag:s23], $0x1  }
0xa3: {  	[sflag:s23] =	ssyncset.done $0x0  }
0xa4: {  	s25 =	simm.s32 $0x1B8E;
	s24 =	sld [smem:$0x3FFE];
	[sflag:s23] =	ssyncadd.s32 $0xFFFFFFFF  }
0xa5: {  	s26 =	simm.s32 $execute0_lowered;
	[smem:$0x3FD2] =	sst s25  }
0xa6: {  	s5 =	sshll.u32 s26, $0x1;
	_ =	strace $0x80000046;
	[dreg:$0x1] =	wrdreg $0xFFFFFFFF  }
0xa7: {  	s28 =	simm.s32 $_size_execute0_lowered;
	s3 =	sadd.s32 s3, s5;
	[dreg:$0x0] =	wrdreg $0x0  }
0xa8: {  	s5 =	sshll.u32 s28, $0x1;
	[dreg:$0x2] =	wrdreg s3  }
0xa9: {  	[dreg:$0x3] =	wrdreg s5  }
0xaa: {  	[dreg:$0x4] =	wrdreg $0xC0  }
0xab: {  	_ =	task [dreg:s7], $0x5FFFF  }
0xac: {  	[dreg:$0x1] =	wrdreg $0xFFFFFFFF  }
0xad: {  	[dreg:$0x0] =	wrdreg $0x60  }
0xae: {  	[dreg:$0x2] =	wrdreg s24  }
0xaf: {  	[dreg:$0x3] =	wrdreg s2  }
0xb0: {  	[dreg:$0x4] =	wrdreg $0x9  }
0xb1: {  	_ =	task.clear_ibuf [dreg:s7], $0x5FFFF;
	_ =	strace $0x90000046  }
0xb2: {  	s29 =	simm.s32 $0x9;
	_ =	strace $0x80000048  }
0xb3: {  	_ =	swait.ge [sflag:s29], $0x1  }
0xb4: {  	[sflag:s29] =	ssyncadd.s32 $0xFFFFFFFF  }
0xb5: {  	_ =	strace $0x90000048  }
0xb6: {  	_ =	sfence  }
0xb7: {  	s30 =	sld [smem:$0x0];
	_ =	sdelay $0x2  }
0xb8: {  	s31 =	sshll.u32 s1, $0xD;
	s1 =	sshrl.u32 s1, $0x2  }
0xb9: {  	s3 =	sand.u32 $0x4000, s31;
	s1 =	sadd.s32 s1, s30  }
0xba: {  	s0 =	sor.u32 s3, s0;
	s1 =	sshll.u32 s1, $0x11  }
0xbb: {  	s0 =	sor.u32 s1, s0  }
0xbc: {  	s0 =	sadd.s32 $0x8F2B, s0  }
0xbd: {  	[sflag:s0] =	ssyncadd.remote.s32 $0x1  }
0xbe: {  	_ =	sfence.sel $0xFFFF  }
0xbf: {  	[dreg:$0x0] =	wrdreg $0xFFFFFFFF;
	(pc) =	sbr.abs _section_cstart, $3  }
0xc0: {  	[dreg:$0x1] =	wrdreg $0xFFFFFFFF  }
0xc1: {  	_ =	task.clear_ibuf [dreg:s7], $0x2FFFF;
	_ =	strace $0x9FFFFFFF  }
0xc2: {  	(tm) =	ssettm $0x7FFFFFFF  }
0xc3: {  	_ =	shalt  }
tec
execute0_lowered:
.L_overlay_start_1:
0x0: {  	(tag) =	ssettag $0x1  }
0x1: {  	s1 =	srdreg.scid  }
0x2: {  	s0 =	stileid.u32;
	s3 =	rddreg [dreg:$0x0]  }
0x3: {  	s5 =	rddreg [dreg:$0x1];
	s19 =	simm.s32 $0x900;
	s20 =	simm.s32 $0x1100  }
0x4: {  	s21 =	simm.s32 $0x1900;
	s23 =	simm.s32 $0x2100;
	s24 =	simm.s32 $0x2900  }
0x5: {  	s25 =	simm.s32 $0x3100;
	s26 =	simm.s32 $0x3900;
	s8 =	simm.s32 $0x4900  }
0x6: {  	s9 =	simm.s32 $0x5100;
	s10 =	simm.s32 $0x5900;
	s11 =	simm.s32 $0x6100  }
0x7: {  	s12 =	simm.s32 $0x6900;
	s13 =	simm.s32 $0x7100;
	s14 =	simm.s32 $0x7900  }
0x8: {  	s15 =	simm.s32 $0x8100;
	s16 =	simm.s32 $0x8900;
	s1 =	sand.u32 $0x1, s1  }
0x9: {  	s17 =	simm.s32 $0x9100;
	s2 =	sshll.u32 s0, $0x9;
	s4 =	sshll.u32 s1, $0x8  }
0xa: {  	s18 =	simm.s32 $0x9900;
	s4 =	sor.u32 s4, s2;
	s2 =	simm.s32 $0x0  }
0xb: {  	s28 =	simm.s32 $0xE100;
	s29 =	simm.s32 $0xE900;
	[smem:$0x7FF] =	sst s2  }
0xc: {  	s30 =	simm.s32 $0xF100;
	_ =	strace $0x80000047;
	[dreg:$0x5] =	wrdreg s19  }
0xd: {  	s31 =	simm.s32 $0xF900;
	s1 =	ssub.s32 $0x2, s1;
	[dreg:$0x6] =	wrdreg s20  }
0xe: {  	s22 =	sshrl.u32 s1, $0x1;
	s6 =	sshrl.u32 s4, $0x3;
	[dreg:$0x7] =	wrdreg s21  }
0xf: {  	s4 =	sshll.u32 s4, $0x5;
	s1 =	ssub.s32 s1, s22;
	[dreg:$0x8] =	wrdreg s23  }
0x10: {  	s22 =	simm.s32 $0xB900;
	s6 =	sadd.s32 s6, s3;
	[dreg:$0x9] =	wrdreg s24  }
0x11: {  	s4 =	sadd.s32 s5, s4;
	s3 =	sadd.s32 $0x2800, s3;
	[dreg:$0xa] =	wrdreg s25  }
0x12: {  	s5 =	simm.s32 $0x2;
	[dreg:$0xb] =	wrdreg s26;
	s19 =	simm.s32 $0xA100  }
0x13: {  	s20 =	simm.s32 $0xA900;
	s21 =	simm.s32 $0xB100;
	s23 =	simm.s32 $0xC100  }
0x14: {  	v2 =	vlaneseq.u32;
	s24 =	simm.s32 $0xC900;
	s25 =	simm.s32 $0xD100;
	s26 =	simm.s32 $0xD900  }
0x15: {  	vm0 =	vmmov $0xffff;
	v1 =	vshrl.u32 v2, $0x3;
	s6 =	sadd.s32 $0x2400, s6;
	[dreg:$0x4] =	wrdreg s4;
	s4 =	smax.u32 s1, $0x1  }
0x16: {  	v0 =	vand.u32 $0x7, v2;
	v2 =	vor.u32 $0x8, v2;
	v1 =	vmul.u32 $0x8, v1;
	s1 =	simm.s32 $0x1;
	[dreg:$0x3] =	wrdreg s6;
	s6 =	simm.s32 $0x100  }
.LBB2_1:
0x17: {  	s0 =	rddreg [dreg:$0x3]  }
0x18: {  	[tilespmem:s2], [sflag:$0x2] =	stream.linear.gather [hbm4b:s0+s2], $0x100, $0x38;
	[tilespmem:$0x10100] =	vst v63  }
0x19: {  	_ =	swait.ge [sflag:s5], $0x100  }
0x1a: {  	[sflag:s5] =	ssyncset.done $0x0  }
0x1b: {  	[sflag:s5] =	ssyncadd.s32 $0xFFFFFF00  }
0x1c: {  	v3 =	vld [tilespmem:$0x0];
	_ =	sdelay $0x4  }
0x1d: {  	v4 =	vshll.u32 v3, $0x1  }
0x1e: {  	v3 =	vand.u32 $0x7, v3;
	v4 =	vand.u32 $0xFFFFFFF0, v4  }
0x1f: {  	v3 =	vor.u32 v3, v4  }
0x20: {  	v4 =	vperm.xlane v3, v0;
	_ =	sdelay $0x1  }
0x21: {  	v3 =	vperm.xlane v3, v2;
	v4 =	vadd.s32 v1, v4;
	_ =	sdelay $0x1  }
0x22: {  	v3 =	vadd.s32 v1, v3;
	_ =	sdelay $0x2  }
0x23: {  	[tilespmem:s6], [sflag:$0x1] =	stream.indirect_vreg.gather [hbm4b:s3+s2], $0x80, v4, vm0, $0xb8;
	[tilespmem:$0x10100] =	vst v63  }
0x24: {  	s7 =	rddreg [dreg:$0x5]  }
0x25: {  	[tilespmem:s7], [sflag:$0x1] =	stream.indirect_vreg.gather [hbm4b:s3+s2], $0x80, v3, vm0, $0xb8;
	[tilespmem:$0x10100] =	vst v63  }
0x26: {  	v3 =	vld [tilespmem:$0x10];
	_ =	sdelay $0x4  }
0x27: {  	v49 =	vshll.u32 v3, $0x1  }
0x28: {  	v3 =	vand.u32 $0x7, v3;
	v4 =	vand.u32 $0xFFFFFFF0, v49  }
0x29: {  	v3 =	vor.u32 v3, v4  }
0x2a: {  	v4 =	vperm.xlane v3, v0;
	_ =	sdelay $0x1  }
0x2b: {  	v3 =	vperm.xlane v3, v2;
	v4 =	vadd.s32 v1, v4;
	_ =	sdelay $0x1  }
0x2c: {  	v3 =	vadd.s32 v1, v3;
	_ =	sdelay $0x1  }
0x2d: {  	s0 =	rddreg [dreg:$0x6]  }
0x2e: {  	[tilespmem:s0], [sflag:$0x1] =	stream.indirect_vreg.gather [hbm4b:s3+s2], $0x80, v4, vm0, $0xb8;
	[tilespmem:$0x10100] =	vst v63  }
0x2f: {  	s7 =	rddreg [dreg:$0x7]  }
0x30: {  	[tilespmem:s7], [sflag:$0x1] =	stream.indirect_vreg.gather [hbm4b:s3+s2], $0x80, v3, vm0, $0xb8;
	[tilespmem:$0x10100] =	vst v63  }
0x31: {  	v3 =	vld [tilespmem:$0x20];
	_ =	sdelay $0x4  }
0x32: {  	v50 =	vshll.u32 v3, $0x1  }
0x33: {  	v3 =	vand.u32 $0x7, v3;
	v4 =	vand.u32 $0xFFFFFFF0, v50  }
0x34: {  	v3 =	vor.u32 v3, v4  }
0x35: {  	v4 =	vperm.xlane v3, v0;
	_ =	sdelay $0x1  }
0x36: {  	v3 =	vperm.xlane v3, v2;
	v4 =	vadd.s32 v1, v4;
	_ =	sdelay $0x1  }
0x37: {  	v3 =	vadd.s32 v1, v3;
	_ =	sdelay $0x1  }
0x38: {  	s0 =	rddreg [dreg:$0x8]  }
0x39: {  	[tilespmem:s0], [sflag:$0x1] =	stream.indirect_vreg.gather [hbm4b:s3+s2], $0x80, v4, vm0, $0xb8;
	[tilespmem:$0x10100] =	vst v63  }
0x3a: {  	s7 =	rddreg [dreg:$0x9]  }
0x3b: {  	[tilespmem:s7], [sflag:$0x1] =	stream.indirect_vreg.gather [hbm4b:s3+s2], $0x80, v3, vm0, $0xb8;
	[tilespmem:$0x10100] =	vst v63  }
0x3c: {  	v3 =	vld [tilespmem:$0x30];
	_ =	sdelay $0x4  }
0x3d: {  	v51 =	vshll.u32 v3, $0x1  }
0x3e: {  	v3 =	vand.u32 $0x7, v3;
	v4 =	vand.u32 $0xFFFFFFF0, v51  }
0x3f: {  	v3 =	vor.u32 v3, v4  }
0x40: {  	v4 =	vperm.xlane v3, v0;
	_ =	sdelay $0x1  }
0x41: {  	v3 =	vperm.xlane v3, v2;
	v4 =	vadd.s32 v1, v4;
	_ =	sdelay $0x1  }
0x42: {  	v3 =	vadd.s32 v1, v3;
	_ =	sdelay $0x1  }
0x43: {  	s0 =	rddreg [dreg:$0xa]  }
0x44: {  	[tilespmem:s0], [sflag:$0x1] =	stream.indirect_vreg.gather [hbm4b:s3+s2], $0x80, v4, vm0, $0xb8;
	[tilespmem:$0x10100] =	vst v63  }
0x45: {  	s7 =	rddreg [dreg:$0xb]  }
0x46: {  	[tilespmem:s7], [sflag:$0x1] =	stream.indirect_vreg.gather [hbm4b:s3+s2], $0x80, v3, vm0, $0xb8;
	[tilespmem:$0x10100] =	vst v63  }
0x47: {  	v3 =	vld [tilespmem:$0x40];
	_ =	sdelay $0x4  }
0x48: {  	v52 =	vshll.u32 v3, $0x1  }
0x49: {  	v3 =	vand.u32 $0x7, v3;
	v4 =	vand.u32 $0xFFFFFFF0, v52  }
0x4a: {  	v3 =	vor.u32 v3, v4  }
0x4b: {  	v4 =	vperm.xlane v3, v0;
	_ =	sdelay $0x1  }
0x4c: {  	v3 =	vperm.xlane v3, v2;
	v4 =	vadd.s32 v1, v4;
	_ =	sdelay $0x1  }
0x4d: {  	v3 =	vadd.s32 v1, v3;
	_ =	sdelay $0x1  }
0x4e: {  	s7 =	simm.s32 $0x4100  }
0x4f: {  	[tilespmem:s7], [sflag:$0x1] =	stream.indirect_vreg.gather [hbm4b:s3+s2], $0x80, v4, vm0, $0xb8;
	[tilespmem:$0x10100] =	vst v63  }
0x50: {  	_ = 	snop  }
0x51: {  	[tilespmem:s8], [sflag:$0x1] =	stream.indirect_vreg.gather [hbm4b:s3+s2], $0x80, v3, vm0, $0xb8;
	[tilespmem:$0x10100] =	vst v63  }
0x52: {  	v3 =	vld [tilespmem:$0x50];
	_ =	sdelay $0x4  }
0x53: {  	v53 =	vshll.u32 v3, $0x1  }
0x54: {  	v3 =	vand.u32 $0x7, v3;
	v4 =	vand.u32 $0xFFFFFFF0, v53  }
0x55: {  	v3 =	vor.u32 v3, v4  }
0x56: {  	v4 =	vperm.xlane v3, v0;
	_ =	sdelay $0x1  }
0x57: {  	v3 =	vperm.xlane v3, v2;
	v4 =	vadd.s32 v1, v4;
	_ =	sdelay $0x1  }
0x58: {  	v3 =	vadd.s32 v1, v3;
	_ =	sdelay $0x2  }
0x59: {  	[tilespmem:s9], [sflag:$0x1] =	stream.indirect_vreg.gather [hbm4b:s3+s2], $0x80, v4, vm0, $0xb8;
	[tilespmem:$0x10100] =	vst v63  }
0x5a: {  	_ = 	snop  }
0x5b: {  	[tilespmem:s10], [sflag:$0x1] =	stream.indirect_vreg.gather [hbm4b:s3+s2], $0x80, v3, vm0, $0xb8;
	[tilespmem:$0x10100] =	vst v63  }
0x5c: {  	v3 =	vld [tilespmem:$0x60];
	_ =	sdelay $0x4  }
0x5d: {  	v54 =	vshll.u32 v3, $0x1  }
0x5e: {  	v3 =	vand.u32 $0x7, v3;
	v4 =	vand.u32 $0xFFFFFFF0, v54  }
0x5f: {  	v3 =	vor.u32 v3, v4  }
0x60: {  	v4 =	vperm.xlane v3, v0;
	_ =	sdelay $0x1  }
0x61: {  	v3 =	vperm.xlane v3, v2;
	v4 =	vadd.s32 v1, v4;
	_ =	sdelay $0x1  }
0x62: {  	v3 =	vadd.s32 v1, v3;
	_ =	sdelay $0x2  }
0x63: {  	[tilespmem:s11], [sflag:$0x1] =	stream.indirect_vreg.gather [hbm4b:s3+s2], $0x80, v4, vm0, $0xb8;
	[tilespmem:$0x10100] =	vst v63  }
0x64: {  	_ = 	snop  }
0x65: {  	[tilespmem:s12], [sflag:$0x1] =	stream.indirect_vreg.gather [hbm4b:s3+s2], $0x80, v3, vm0, $0xb8;
	[tilespmem:$0x10100] =	vst v63  }
0x66: {  	v3 =	vld [tilespmem:$0x70];
	_ =	sdelay $0x4  }
0x67: {  	v55 =	vshll.u32 v3, $0x1  }
0x68: {  	v3 =	vand.u32 $0x7, v3;
	v4 =	vand.u32 $0xFFFFFFF0, v55  }
0x69: {  	v3 =	vor.u32 v3, v4  }
0x6a: {  	v4 =	vperm.xlane v3, v0;
	_ =	sdelay $0x1  }
0x6b: {  	v3 =	vperm.xlane v3, v2;
	v4 =	vadd.s32 v1, v4;
	_ =	sdelay $0x1  }
0x6c: {  	v3 =	vadd.s32 v1, v3;
	_ =	sdelay $0x2  }
0x6d: {  	[tilespmem:s13], [sflag:$0x1] =	stream.indirect_vreg.gather [hbm4b:s3+s2], $0x80, v4, vm0, $0xb8;
	[tilespmem:$0x10100] =	vst v63  }
0x6e: {  	_ = 	snop  }
0x6f: {  	[tilespmem:s14], [sflag:$0x1] =	stream.indirect_vreg.gather [hbm4b:s3+s2], $0x80, v3, vm0, $0xb8;
	[tilespmem:$0x10100] =	vst v63  }
0x70: {  	v3 =	vld [tilespmem:$0x80];
	_ =	sdelay $0x4  }
0x71: {  	v56 =	vshll.u32 v3, $0x1  }
0x72: {  	v3 =	vand.u32 $0x7, v3;
	v4 =	vand.u32 $0xFFFFFFF0, v56  }
0x73: {  	v3 =	vor.u32 v3, v4  }
0x74: {  	v4 =	vperm.xlane v3, v0;
	_ =	sdelay $0x1  }
0x75: {  	v3 =	vperm.xlane v3, v2;
	v4 =	vadd.s32 v1, v4;
	_ =	sdelay $0x1  }
0x76: {  	v3 =	vadd.s32 v1, v3;
	_ =	sdelay $0x2  }
0x77: {  	[tilespmem:s15], [sflag:$0x1] =	stream.indirect_vreg.gather [hbm4b:s3+s2], $0x80, v4, vm0, $0xb8;
	[tilespmem:$0x10100] =	vst v63  }
0x78: {  	_ = 	snop  }
0x79: {  	[tilespmem:s16], [sflag:$0x1] =	stream.indirect_vreg.gather [hbm4b:s3+s2], $0x80, v3, vm0, $0xb8;
	[tilespmem:$0x10100] =	vst v63  }
0x7a: {  	v3 =	vld [tilespmem:$0x90];
	_ =	sdelay $0x4  }
0x7b: {  	v57 =	vshll.u32 v3, $0x1  }
0x7c: {  	v3 =	vand.u32 $0x7, v3;
	v4 =	vand.u32 $0xFFFFFFF0, v57  }
0x7d: {  	v3 =	vor.u32 v3, v4  }
0x7e: {  	v4 =	vperm.xlane v3, v0;
	_ =	sdelay $0x1  }
0x7f: {  	v3 =	vperm.xlane v3, v2;
	v4 =	vadd.s32 v1, v4;
	_ =	sdelay $0x1  }
0x80: {  	v3 =	vadd.s32 v1, v3;
	_ =	sdelay $0x2  }
0x81: {  	[tilespmem:s17], [sflag:$0x1] =	stream.indirect_vreg.gather [hbm4b:s3+s2], $0x80, v4, vm0, $0xb8;
	[tilespmem:$0x10100] =	vst v63  }
0x82: {  	_ = 	snop  }
0x83: {  	[tilespmem:s18], [sflag:$0x1] =	stream.indirect_vreg.gather [hbm4b:s3+s2], $0x80, v3, vm0, $0xb8;
	[tilespmem:$0x10100] =	vst v63  }
0x84: {  	v3 =	vld [tilespmem:$0xA0];
	_ =	sdelay $0x4  }
0x85: {  	v58 =	vshll.u32 v3, $0x1  }
0x86: {  	v3 =	vand.u32 $0x7, v3;
	v4 =	vand.u32 $0xFFFFFFF0, v58  }
0x87: {  	v3 =	vor.u32 v3, v4  }
0x88: {  	v4 =	vperm.xlane v3, v0;
	_ =	sdelay $0x1  }
0x89: {  	v3 =	vperm.xlane v3, v2;
	v4 =	vadd.s32 v1, v4;
	_ =	sdelay $0x1  }
0x8a: {  	v3 =	vadd.s32 v1, v3;
	_ =	sdelay $0x2  }
0x8b: {  	[tilespmem:s19], [sflag:$0x1] =	stream.indirect_vreg.gather [hbm4b:s3+s2], $0x80, v4, vm0, $0xb8;
	[tilespmem:$0x10100] =	vst v63  }
0x8c: {  	_ = 	snop  }
0x8d: {  	[tilespmem:s20], [sflag:$0x1] =	stream.indirect_vreg.gather [hbm4b:s3+s2], $0x80, v3, vm0, $0xb8;
	[tilespmem:$0x10100] =	vst v63  }
0x8e: {  	v3 =	vld [tilespmem:$0xB0];
	_ =	sdelay $0x4  }
0x8f: {  	v59 =	vshll.u32 v3, $0x1  }
0x90: {  	v3 =	vand.u32 $0x7, v3;
	v4 =	vand.u32 $0xFFFFFFF0, v59  }
0x91: {  	v3 =	vor.u32 v3, v4  }
0x92: {  	v4 =	vperm.xlane v3, v0;
	_ =	sdelay $0x1  }
0x93: {  	v3 =	vperm.xlane v3, v2;
	v4 =	vadd.s32 v1, v4;
	_ =	sdelay $0x1  }
0x94: {  	v3 =	vadd.s32 v1, v3;
	_ =	sdelay $0x2  }
0x95: {  	[tilespmem:s21], [sflag:$0x1] =	stream.indirect_vreg.gather [hbm4b:s3+s2], $0x80, v4, vm0, $0xb8;
	[tilespmem:$0x10100] =	vst v63  }
0x96: {  	_ = 	snop  }
0x97: {  	[tilespmem:s22], [sflag:$0x1] =	stream.indirect_vreg.gather [hbm4b:s3+s2], $0x80, v3, vm0, $0xb8;
	[tilespmem:$0x10100] =	vst v63  }
0x98: {  	v3 =	vld [tilespmem:$0xC0];
	_ =	sdelay $0x4  }
0x99: {  	v60 =	vshll.u32 v3, $0x1  }
0x9a: {  	v3 =	vand.u32 $0x7, v3;
	v4 =	vand.u32 $0xFFFFFFF0, v60  }
0x9b: {  	v3 =	vor.u32 v3, v4  }
0x9c: {  	v4 =	vperm.xlane v3, v0;
	_ =	sdelay $0x1  }
0x9d: {  	v3 =	vperm.xlane v3, v2;
	v4 =	vadd.s32 v1, v4;
	_ =	sdelay $0x1  }
0x9e: {  	v3 =	vadd.s32 v1, v3;
	_ =	sdelay $0x2  }
0x9f: {  	[tilespmem:s23], [sflag:$0x1] =	stream.indirect_vreg.gather [hbm4b:s3+s2], $0x80, v4, vm0, $0xb8;
	[tilespmem:$0x10100] =	vst v63  }
0xa0: {  	_ = 	snop  }
0xa1: {  	[tilespmem:s24], [sflag:$0x1] =	stream.indirect_vreg.gather [hbm4b:s3+s2], $0x80, v3, vm0, $0xb8;
	[tilespmem:$0x10100] =	vst v63  }
0xa2: {  	v3 =	vld [tilespmem:$0xD0];
	_ =	sdelay $0x4  }
0xa3: {  	v61 =	vshll.u32 v3, $0x1  }
0xa4: {  	v3 =	vand.u32 $0x7, v3;
	v4 =	vand.u32 $0xFFFFFFF0, v61  }
0xa5: {  	v3 =	vor.u32 v3, v4  }
0xa6: {  	v4 =	vperm.xlane v3, v0;
	_ =	sdelay $0x1  }
0xa7: {  	v3 =	vperm.xlane v3, v2;
	v4 =	vadd.s32 v1, v4;
	_ =	sdelay $0x1  }
0xa8: {  	v3 =	vadd.s32 v1, v3;
	_ =	sdelay $0x2  }
0xa9: {  	[tilespmem:s25], [sflag:$0x1] =	stream.indirect_vreg.gather [hbm4b:s3+s2], $0x80, v4, vm0, $0xb8;
	[tilespmem:$0x10100] =	vst v63  }
0xaa: {  	_ = 	snop  }
0xab: {  	[tilespmem:s26], [sflag:$0x1] =	stream.indirect_vreg.gather [hbm4b:s3+s2], $0x80, v3, vm0, $0xb8;
	[tilespmem:$0x10100] =	vst v63  }
0xac: {  	v3 =	vld [tilespmem:$0xE0];
	_ =	sdelay $0x4  }
0xad: {  	v62 =	vshll.u32 v3, $0x1  }
0xae: {  	v3 =	vand.u32 $0x7, v3;
	v4 =	vand.u32 $0xFFFFFFF0, v62  }
0xaf: {  	v3 =	vor.u32 v3, v4  }
0xb0: {  	v4 =	vperm.xlane v3, v0;
	_ =	sdelay $0x1  }
0xb1: {  	v3 =	vperm.xlane v3, v2;
	v4 =	vadd.s32 v1, v4;
	_ =	sdelay $0x1  }
0xb2: {  	v3 =	vadd.s32 v1, v3;
	_ =	sdelay $0x2  }
0xb3: {  	[tilespmem:s28], [sflag:$0x1] =	stream.indirect_vreg.gather [hbm4b:s3+s2], $0x80, v4, vm0, $0xb8;
	[tilespmem:$0x10100] =	vst v63  }
0xb4: {  	_ = 	snop  }
0xb5: {  	[tilespmem:s29], [sflag:$0x1] =	stream.indirect_vreg.gather [hbm4b:s3+s2], $0x80, v3, vm0, $0xb8;
	[tilespmem:$0x10100] =	vst v63  }
0xb6: {  	v3 =	vld [tilespmem:$0xF0];
	_ =	sdelay $0x4  }
0xb7: {  	v63 =	vshll.u32 v3, $0x1  }
0xb8: {  	v3 =	vand.u32 $0x7, v3;
	v4 =	vand.u32 $0xFFFFFFF0, v63  }
0xb9: {  	v3 =	vor.u32 v3, v4  }
0xba: {  	v4 =	vperm.xlane v3, v0;
	_ =	sdelay $0x1  }
0xbb: {  	v3 =	vperm.xlane v3, v2;
	v4 =	vadd.s32 v1, v4;
	_ =	sdelay $0x1  }
0xbc: {  	v3 =	vadd.s32 v1, v3;
	_ =	sdelay $0x2  }
0xbd: {  	[tilespmem:s30], [sflag:$0x1] =	stream.indirect_vreg.gather [hbm4b:s3+s2], $0x80, v4, vm0, $0xb8;
	[tilespmem:$0x10100] =	vst v63  }
0xbe: {  	_ = 	snop  }
0xbf: {  	[tilespmem:s31], [sflag:$0x1] =	stream.indirect_vreg.gather [hbm4b:s3+s2], $0x80, v3, vm0, $0xb8;
	[tilespmem:$0x10100] =	vst v63  }
0xc0: {  	_ =	swait.ge [sflag:s1], $0x8000  }
0xc1: {  	[sflag:s1] =	ssyncset.done $0x0  }
0xc2: {  	[sflag:s1] =	ssyncadd.s32 $0xFFFF8000  }
0xc3: {  	_ =	swait.ge [sflag:s1], $0x8000  }
0xc4: {  	p0 =	sne.s32 s4, $0x1;
	[sflag:s1] =	ssyncset.done $0x0  }
.Ltmp0:
0xc5: {  	s7 =	rddreg [dreg:$0x4];
	[sflag:s1] =	ssyncadd.s32 $0xFFFF8000;
	(pc) =	sbr.rel @p0 .LBB2_1-.Ltmp0, $4  }
0xc6: {  	[hbm4b:s7+s2] =	stream.linear.scatter [tilespmem:s6], [sflag:$0x2], $0x10000, $0x38;
	[tilespmem:$0x10100] =	vst v63  }
0xc7: {  	_ =	swait.ge [sflag:s5], $0x10000  }
0xc8: {  	[sflag:s5] =	ssyncset.done $0x0  }
0xc9: {  	s4 =	sadd.s32 $0xFFFFFFFF, s4;
	[sflag:s5] =	ssyncadd.s32 $0xFFFF0000  }
0xca: {  	_ =	sfence.sel $0x180000  }
0xcb: {  	[bflag:$0x0] =	sbarrier.arrive $0xFFFF  }
0xcc: {  	_ =	strace $0x90000047  }
0xcd: {  	s0 =	stileid.u32;
	[bflag:$0x2] =	sbarrier.arrive $0xFFFF  }
0xce: {  	p0 =	sne.s32 s0, $0x0;
	s0 =	rddreg [dreg:$0x2]  }
0xcf: {  	s0 =	sadd.s32 @!p0 $0x100000, s0  }
0xd0: {  	[sflag:s0] =	ssyncadd.tile.s32 @!p0 $0x1;
	_ =	shalt  }
.Lfunc_end2:
_tile_overlayer_lowered:
.L_overlay_start_2:
0xd1: {  	(tag) =	ssettag $0x2  }
0xd2: {  	s0 =	rddreg [dreg:$0x0];
	s2 =	stileid.u32  }
0xd3: {  	s1 =	rddreg [dreg:$0x1];
	p0 =	sne.s32 s2, $0x0  }
0xd4: {  	s3 =	rddreg [dreg:$0x2];
	[bflag:$0x3] =	sbarrier.arrive $0xFFFF;
	s2 =	simm.s32 @!p0 $0x1C02  }
0xd5: {  	[timem:s3], [sflag:s2] =	dma.local @!p0 [hbm:s0], s1  }
0xd6: {  	s0 =	simm.s32 @!p0 $0x2  }
0xd7: {  	_ =	swait.ge @!p0 [sflag:s0], s1  }
0xd8: {  	s1 =	ssub.s32 @!p0 $0x0, s1;
	[sflag:s0] =	ssyncset.done @!p0 $0x0  }
0xd9: {  	[sflag:s0] =	ssyncadd.s32 @!p0 s1  }
0xda: {  	[bflag:$0x3] =	sbarrier.arrive $0xFFFF  }
0xdb: {  	_ =	shalt  }

</sc_bundles>
